<compile_context>
chip_gen: v7x
topology: tpu7x:2x2x1
jax: 0.10.2.dev20260603
libtpu: 0.0.44.dev20260713+nightly
codegen_flags: <defaults>
</compile_context>

<pallas_src>
import functools

import jax
import jax.numpy as jnp
from jax import lax
from jax.experimental import pallas as pl
from jax.experimental.pallas import tpu as pltpu
from jax.experimental.pallas import tpu_sc as plsc

B = 128
NUM_COLS = 256
NUM_NODES = 128
NUM_CATS = 100
EMB = 64
HID = 64
PERIODS = 37
NUM_EDGES = 4096

_F32 = jnp.float32
_WIDE = 2 * HID


def _tc_prep(emb_r, x_batch, Wz, LzWt, bz, Lzb, Wh, LhWt, bh, Lhb,
             dst_row, src_col, dst_col):
    def body(emb_ref, x_ref, wz_ref, lzt_ref, bz_ref, lzb_ref, wh_ref,
             lht_ref, bh_ref, lhb_ref, dstr_ref, srcc_ref, dstc_ref,
             tzh_ref, amat_ref, czh_ref, xst_ref):
        mz = jnp.dot(wz_ref[...], lzt_ref[...], preferred_element_type=_F32)
        mh = jnp.dot(wh_ref[...], lht_ref[...], preferred_element_type=_F32)
        mzh = jnp.concatenate([mz, mh], axis=1)
        tzh_ref[...] = jnp.reshape(
            jnp.dot(emb_ref[...], mzh, preferred_element_type=_F32),
            (NUM_COLS * NUM_CATS // B, B, _WIDE))

        cz = jnp.dot(bz_ref[...], lzt_ref[...],
                     preferred_element_type=_F32) + lzb_ref[...]
        ch = jnp.dot(bh_ref[...], lht_ref[...],
                     preferred_element_type=_F32) + lhb_ref[...]
        czh_ref[...] = jnp.concatenate([cz, ch], axis=1)

        dstr = dstr_ref[...].astype(jnp.int32)
        srcc = srcc_ref[...].astype(jnp.int32)
        dstc = dstc_ref[...].astype(jnp.int32)
        iota_i = lax.broadcasted_iota(jnp.int32, (NUM_NODES, NUM_EDGES), 0)
        odt = (iota_i == dstr).astype(_F32)
        iota_j = lax.broadcasted_iota(jnp.int32, (NUM_EDGES, NUM_NODES), 1)
        os_ = (iota_j == srcc).astype(_F32)
        od2 = (iota_j == dstc).astype(_F32)
        cnt = jnp.dot(odt, os_, preferred_element_type=_F32)
        deg_col = jnp.sum(odt, axis=1, keepdims=True) + 1.0
        deg_row = jnp.sum(od2, axis=0, keepdims=True) + 1.0
        dinv_col = lax.rsqrt(deg_col)
        dinv_row = lax.rsqrt(deg_row)
        ii = lax.broadcasted_iota(jnp.int32, (NUM_NODES, NUM_NODES), 0)
        jj = lax.broadcasted_iota(jnp.int32, (NUM_NODES, NUM_NODES), 1)
        eye = (ii == jj).astype(_F32)
        amat_ref[...] = (cnt + eye) * dinv_col * dinv_row

        xt = jnp.transpose(x_ref[...].astype(_F32)).astype(jnp.int32)
        xst_ref[...] = xt + NUM_CATS * lax.broadcasted_iota(
            jnp.int32, (NUM_COLS, B), 0)

    return pl.pallas_call(
        body,
        out_shape=(
            jax.ShapeDtypeStruct((NUM_COLS * NUM_CATS // B, B, _WIDE), _F32),
            jax.ShapeDtypeStruct((NUM_NODES, NUM_NODES), _F32),
            jax.ShapeDtypeStruct((1, _WIDE), _F32),
            jax.ShapeDtypeStruct((NUM_COLS, B), jnp.int32),
        ),
    )(emb_r, x_batch, Wz, LzWt, bz, Lzb, Wh, LhWt, bh, Lhb,
      dst_row, src_col, dst_col)


def _sc_gather(cols_ad_dis, xs_t, tzh):
    info = plsc.get_sparse_core_info()
    nc = info.num_cores
    rows_total = 2 * NUM_NODES
    npw = 8
    half = npw // 2
    nworkers = rows_total // npw

    mesh = plsc.VectorSubcoreMesh(core_axis_name="c", subcore_axis_name="s")

    @functools.partial(
        pl.kernel,
        mesh=mesh,
        compiler_params=pltpu.CompilerParams(use_tc_tiling_on_sc=False),
        out_type=jax.ShapeDtypeStruct((rows_total * B, _WIDE), _F32),
        scratch_types=[
            pltpu.VMEM((npw,), jnp.int32),
            pltpu.VMEM((npw, B), jnp.int32),
            pltpu.VMEM((half * B, _WIDE), _F32),
            pltpu.SemaphoreType.DMA,
        ],
    )
    def body(cols_h, xst_h, tzh_h, out_h, myc_v, idx_v, rows_v, sem):
        wid = lax.axis_index("s") * nc + lax.axis_index("c")

        @pl.when(wid < nworkers)
        def _():
            base = wid * npw
            pltpu.sync_copy(cols_h.at[pl.ds(base, npw)], myc_v)
            pltpu.async_copy(xst_h.at[myc_v], idx_v, sem).wait()
            for p in range(2):
                cps = [
                    pltpu.async_copy(
                        tzh_h.at[idx_v.at[p * half + j]],
                        rows_v.at[pl.ds(j * B, B)],
                        sem,
                    )
                    for j in range(half)
                ]
                for cp in cps:
                    cp.wait()
                pltpu.sync_copy(
                    rows_v,
                    out_h.at[pl.ds((base + p * half) * B, half * B)],
                )

    return body(cols_ad_dis, xs_t, tzh)


def _tc_main(g_wide, amat, czh, att, los, C1W, C1b, C2W, C2b):
    lanes = B * _WIDE

    def body(g_ref, amat_ref, czh_ref, att_ref, los_ref,
             c1w_ref, c1b_ref, c2w_ref, c2b_ref, out_ref):
        amat = amat_ref[...]
        lane_mod = lax.rem(lax.broadcasted_iota(jnp.int32, (_WIDE, lanes), 1),
                           _WIDE)
        sel_bias = (lane_mod == lax.broadcasted_iota(
            jnp.int32, (_WIDE, lanes), 0)).astype(_F32)
        czh_wide = jnp.dot(czh_ref[...], sel_bias, preferred_element_type=_F32)
        lm = lax.rem(lax.broadcasted_iota(jnp.int32, (1, lanes), 1), _WIDE)
        scale = jnp.where(lm < HID, 0.5, 1.0).astype(_F32)

        def branch(g_br):
            y = jnp.dot(amat, g_br, preferred_element_type=_F32) + czh_wide
            u = jnp.tanh(y * scale)
            u_rot = jnp.concatenate([u[:, HID:], u[:, :HID]], axis=1)
            f = (0.5 - 0.5 * u) * u_rot
            return jnp.sum(f, axis=0, keepdims=True)

        pool_ad = branch(g_ref[:NUM_NODES, :])
        pool_dis = branch(g_ref[NUM_NODES:, :])

        rsel = (lax.broadcasted_iota(jnp.int32, (B, lanes), 1) // _WIDE
                == lax.broadcasted_iota(jnp.int32, (B, lanes), 0)).astype(_F32)
        gmod = lax.rem(lax.broadcasted_iota(jnp.int32, (lanes, HID), 0), _WIDE)
        gsel = (gmod == lax.broadcasted_iota(
            jnp.int32, (lanes, HID), 1)).astype(_F32)
        pm_ad = jnp.dot(rsel * pool_ad, gsel, preferred_element_type=_F32)
        pm_dis = jnp.dot(rsel * pool_dis, gsel, preferred_element_type=_F32)

        att_v = att_ref[...]
        att_m = jnp.max(att_v, axis=1, keepdims=True)
        att_e = jnp.exp(att_v - att_m)
        p = att_e / jnp.sum(att_e, axis=1, keepdims=True)
        tio = lax.broadcasted_iota(jnp.int32, (B, PERIODS), 1)
        mask = (tio < los_ref[...]).astype(_F32)
        s = jnp.sum(mask * p, axis=1, keepdims=True)

        pooled = (s * pm_ad + (1.0 - s) * pm_dis) * (1.0 / NUM_NODES)
        h1 = jnp.maximum(
            jnp.dot(pooled, c1w_ref[...], preferred_element_type=_F32) + c1b_ref[...],
            0.0,
        )
        out_ref[...] = (
            jnp.dot(h1, c2w_ref[...], preferred_element_type=_F32) + c2b_ref[...]
        )

    return pl.pallas_call(
        body,
        out_shape=jax.ShapeDtypeStruct((B, 2), _F32),
    )(g_wide, amat, czh, att, los, C1W, C1b, C2W, C2b)


def kernel(ad_col_index, dis_col_index, x_batch, LOS_batch, template_edge_index,
           device, emb_tables, Wz, bz, Wr, br, Wh, bh, LzW, Lzb, LrW, Lrb,
           LhW, Lhb, attention, C1W, C1b, C2W, C2b):
    del device, Wr, br, LrW, Lrb

    cols = jnp.concatenate([ad_col_index, dis_col_index]).astype(jnp.int32)
    ef = template_edge_index.astype(_F32)
    dst_row = ef[1].reshape(1, NUM_EDGES)
    src_col = ef[0].reshape(NUM_EDGES, 1)
    dst_col = ef[1].reshape(NUM_EDGES, 1)

    tzh3, amat, czh, xs_t = _tc_prep(
        emb_tables.reshape(NUM_COLS * NUM_CATS, EMB), x_batch.astype(jnp.int32),
        Wz, LzW[:HID], bz.reshape(1, HID), Lzb.reshape(1, HID),
        Wh, LhW[:HID], bh.reshape(1, HID), Lhb.reshape(1, HID),
        dst_row, src_col, dst_col,
    )
    tzh = tzh3.reshape(NUM_COLS * NUM_CATS, _WIDE)

    gathered = _sc_gather(cols, xs_t, tzh)
    g_wide = gathered.reshape(2 * NUM_NODES, B * _WIDE)

    return _tc_main(
        g_wide, amat, czh,
        attention.reshape(1, PERIODS),
        LOS_batch.astype(jnp.int32).reshape(B, 1),
        C1W, C1b.reshape(1, 2 * HID), C2W, C2b.reshape(1, 2),
    )

# --- scband reference (transcript-rebuilt; emitter-appended) ---
"""Pipeline reference for scband-a3-tgcncat1-7490422964804 (READ-ONLY COPY).

The authoritative reference and input builder live on the scoring server;
editing this copy changes nothing except your own understanding.
"""

import jax, jax.numpy as jnp
import numpy as np

B = 128
NUM_COLS = 256
NUM_NODES = 128
NUM_CATS = 100
EMB = 64
HID = 64
PERIODS = 37
NUM_EDGES = 4096


def setup_inputs(seed: int = 0):
    key = jax.random.key(seed)
    ks = jax.random.split(key, 26)
    inp = {}
    inp["ad_col_index"] = jax.random.randint(ks[0], (NUM_NODES,), 0, NUM_COLS)
    inp["dis_col_index"] = jax.random.randint(ks[1], (NUM_NODES,), 0, NUM_COLS)
    inp["x_batch"] = jax.random.randint(ks[2], (B, NUM_COLS), 0, NUM_CATS)
    inp["LOS_batch"] = jax.random.randint(ks[3], (B,), 0, PERIODS)
    inp["template_edge_index"] = jax.random.randint(ks[4], (2, NUM_EDGES), 0, NUM_NODES)
    inp["device"] = 0
    inp["emb_tables"] = jax.random.normal(ks[5], (NUM_COLS, NUM_CATS, EMB), dtype=jnp.float32) * 0.02
    inp["Wz"] = jax.random.normal(ks[6], (EMB, HID), dtype=jnp.float32) * 0.1
    inp["bz"] = jnp.zeros((HID,), jnp.float32)
    inp["Wr"] = jax.random.normal(ks[7], (EMB, HID), dtype=jnp.float32) * 0.1
    inp["br"] = jnp.zeros((HID,), jnp.float32)
    inp["Wh"] = jax.random.normal(ks[8], (EMB, HID), dtype=jnp.float32) * 0.1
    inp["bh"] = jnp.zeros((HID,), jnp.float32)
    inp["LzW"] = jax.random.normal(ks[9], (2 * HID, HID), dtype=jnp.float32) * 0.1
    inp["Lzb"] = jnp.zeros((HID,), jnp.float32)
    inp["LrW"] = jax.random.normal(ks[10], (2 * HID, HID), dtype=jnp.float32) * 0.1
    inp["Lrb"] = jnp.zeros((HID,), jnp.float32)
    inp["LhW"] = jax.random.normal(ks[11], (2 * HID, HID), dtype=jnp.float32) * 0.1
    inp["Lhb"] = jnp.zeros((HID,), jnp.float32)
    inp["attention"] = jax.random.normal(ks[12], (PERIODS,), dtype=jnp.float32)
    inp["C1W"] = jax.random.normal(ks[13], (HID, 2 * HID), dtype=jnp.float32) * 0.1
    inp["C1b"] = jnp.zeros((2 * HID,), jnp.float32)
    inp["C2W"] = jax.random.normal(ks[14], (2 * HID, 2), dtype=jnp.float32) * 0.1
    inp["C2b"] = jnp.zeros((2,), jnp.float32)
    return inp


def _forward(ad_col_index, dis_col_index, x_batch, LOS_batch, template_edge_index,
             emb_tables, Wz, bz, Wr, br, Wh, bh, LzW, Lzb, LrW, Lrb, LhW, Lhb,
             attention, C1W, C1b, C2W, C2b):
    Bsz, NC = x_batch.shape
    N = ad_col_index.shape[0]
    # EntityEmbeddingBatch3: per-column embedding lookup -> [B, NC, EMB]
    x_emb = emb_tables[jnp.arange(NC)[None, :], x_batch]
    # to_temporal: select admission/discharge columns, expand over LOS mask
    ad = x_emb[:, ad_col_index, :]
    dis = x_emb[:, dis_col_index, :]
    mask = jnp.arange(PERIODS)[None, None, None, :] < LOS_batch[:, None, None, None]
    temporal = jnp.where(mask, ad[..., None], dis[..., None])  # [B, N, EMB, T]
    # GCN normalization (add self loops, symmetric norm) -- cached across periods
    loop = jnp.arange(N)
    src = jnp.concatenate([template_edge_index[0], loop])
    dst = jnp.concatenate([template_edge_index[1], loop])
    deg = jnp.zeros((N,), jnp.float32).at[dst].add(1.0)
    dinv = jnp.where(deg > 0, 1.0 / jnp.sqrt(deg), 0.0)
    norm = dinv[src] * dinv[dst]

    def gcn(X, W, b):
        XW = jnp.einsum('bnc,ch->bnh', X, W)
        msg = XW[:, src, :] * norm[None, :, None]
        agg = jnp.zeros_like(XW).at[:, dst, :].add(msg)
        return agg + b

    H0 = jnp.zeros((Bsz, N, HID), jnp.float32)
    probs = jax.nn.softmax(attention, axis=0)
    Xt_seq = jnp.moveaxis(temporal, -1, 0)  # [T, B, N, EMB]

    def step(carry, xp):
        Xt, p = xp
        # TGCN2 cell with H=None (zeros), as in A3TGCN2's per-period call
        Z = jax.nn.sigmoid(jnp.concatenate([gcn(Xt, Wz, bz), H0], axis=-1) @ LzW + Lzb)
        R = jax.nn.sigmoid(jnp.concatenate([gcn(Xt, Wr, br), H0], axis=-1) @ LrW + Lrb)
        Htilde = jnp.tanh(jnp.concatenate([gcn(Xt, Wh, bh), H0 * R], axis=-1) @ LhW + Lhb)
        Hnew = Z * H0 + (1.0 - Z) * Htilde
        return carry + p * Hnew, None

    H_accum, _ = jax.lax.scan(step, jnp.zeros((Bsz, N, HID), jnp.float32), (Xt_seq, probs))
    pooled = jnp.mean(H_accum, axis=1)
    h1 = jax.nn.relu(pooled @ C1W + C1b)
    return h1 @ C2W + C2b


def reference(ad_col_index, dis_col_index, x_batch, LOS_batch, template_edge_index, device,
              emb_tables, Wz, bz, Wr, br, Wh, bh, LzW, Lzb, LrW, Lrb, LhW, Lhb,
              attention, C1W, C1b, C2W, C2b):
    return _forward(ad_col_index, dis_col_index, x_batch, LOS_batch, template_edge_index,
                    emb_tables, Wz, bz, Wr, br, Wh, bh, LzW, Lzb, LrW, Lrb, LhW, Lhb,
                    attention, C1W, C1b, C2W, C2b)

if __name__ == "__main__":
    import jax
    _d = setup_inputs()
    print(jax.jit(kernel)(*tuple(_d.values())))

</pallas_src>

<mosaic_0001>
#map = affine_map<(d0, d1) -> (0)>
#map1 = affine_map<(d0, d1) -> (0, 0)>
module attributes {stable_mosaic.version = 14 : i64} {
  func.func @body(%arg0: i32, %arg1: i32, %arg2: memref<256xi32, #tpu.memory_space<hbm>>, %arg3: memref<256x128xi32, #tpu.memory_space<hbm>>, %arg4: memref<25600x128xf32, #tpu.memory_space<hbm>>, %arg5: memref<32768x128xf32, #tpu.memory_space<hbm>>, %arg6: memref<8xi32, #tpu.memory_space<vmem>>, %arg7: memref<8x128xi32, #tpu.memory_space<vmem>>, %arg8: memref<512x128xf32, #tpu.memory_space<vmem>>, %arg9: memref<!tpu.dma_semaphore, #tpu.memory_space<semaphore_mem>>) attributes {dimension_semantics = [#tpu.dimension_semantics<core_parallel>, #tpu.dimension_semantics<subcore_parallel>], iteration_bounds = array<i64: 2, 16>, scalar_prefetch = 0 : i64, scratch_operands = 4 : i64, tpu.core_type = #tpu.core_type<sc_vector_subcore>, window_params = [{transform_indices = #map}, {transform_indices = #map1}, {transform_indices = #map1}, {transform_indices = #map1}]} {
    %mul3A = arith.constant 2 : i32
    %mul3A_0 = arith.muli %arg1, %mul3A : i32
    %add3A = arith.addi %mul3A_0, %arg0 : i32
    %lt3A = arith.constant 32 : i32
    %lt3A_1 = arith.cmpi slt, %add3A, %lt3A : i32
    %convert_element_type3A = arith.extui %lt3A_1 : i1 to i32
    %cond3A = arith.constant 0 : i32
    %cond3A_2 = arith.cmpi ne, %convert_element_type3A, %cond3A : i32
    scf.if %cond3A_2 {
      %mul3A_3 = arith.constant 8 : i32
      %mul3A_4 = arith.muli %add3A, %mul3A_3 : i32
      "tpu.region"() ({
        %run_scoped3A = tpu.sem_alloc : memref<!tpu.dma_semaphore, #tpu.memory_space<semaphore_mem>>
        %dma_start3A_177 = tpu.memref_slice %arg2[%mul3A_4] : memref<256xi32, #tpu.memory_space<hbm>> -> memref<8xi32, #tpu.memory_space<hbm>>
        %dma_start3A_178 = tpu.memref_slice %arg2[%mul3A_4] : memref<256xi32, #tpu.memory_space<hbm>> -> memref<8xi32, #tpu.memory_space<hbm>>
        tpu.enqueue_dma source(%dma_start3A_178 : memref<8xi32, #tpu.memory_space<hbm>>) target(%arg6 : memref<8xi32, #tpu.memory_space<vmem>>) target_semaphore(%run_scoped3A : memref<!tpu.dma_semaphore, #tpu.memory_space<semaphore_mem>>)
        %dma_wait3A_179 = tpu.memref_slice %arg2[%mul3A_4] : memref<256xi32, #tpu.memory_space<hbm>> -> memref<8xi32, #tpu.memory_space<hbm>>
        %dma_wait3A_180 = tpu.memref_slice %arg2[%mul3A_4] : memref<256xi32, #tpu.memory_space<hbm>> -> memref<8xi32, #tpu.memory_space<hbm>>
        tpu.wait_dma2 semaphore(%run_scoped3A : memref<!tpu.dma_semaphore, #tpu.memory_space<semaphore_mem>>) src(%dma_wait3A_180 : memref<8xi32, #tpu.memory_space<hbm>>) dst(%arg6 : memref<8xi32, #tpu.memory_space<vmem>>)
        tpu.yield
      }) : () -> ()
      %dma_start3A = arith.constant 0 : i32
      %dma_start3A_5 = arith.constant 0 : i32
      %dma_start3A_6 = tpu.memref_slice %arg3[%dma_start3A, %dma_start3A_5] : memref<256x128xi32, #tpu.memory_space<hbm>> -> memref<256x128xi32, #tpu.memory_space<hbm>>
      tpu.enqueue_indirect_dma source(%dma_start3A_6 : memref<256x128xi32, #tpu.memory_space<hbm>>) target(%arg7 : memref<8x128xi32, #tpu.memory_space<vmem>>) offsets(%arg6 : memref<8xi32, #tpu.memory_space<vmem>>) semaphore(%arg9 : memref<!tpu.dma_semaphore, #tpu.memory_space<semaphore_mem>>)
      %dma_wait3A = arith.constant 0 : i32
      %dma_wait3A_7 = arith.constant 0 : i32
      %dma_wait3A_8 = tpu.memref_slice %arg3[%dma_wait3A, %dma_wait3A_7] : memref<256x128xi32, #tpu.memory_space<hbm>> -> memref<256x128xi32, #tpu.memory_space<hbm>>
      tpu.wait_indirect_dma semaphore(%arg9 : memref<!tpu.dma_semaphore, #tpu.memory_space<semaphore_mem>>) src(%dma_wait3A_8 : memref<256x128xi32, #tpu.memory_space<hbm>>) dst(%arg7 : memref<8x128xi32, #tpu.memory_space<vmem>>)
      %dma_start3A_9 = arith.constant 0 : i32
      %dma_start3A_10 = arith.constant 0 : i32
      %dma_start3A_11 = arith.constant 0 : i32
      %dma_start3A_12 = tpu.memref_slice %arg8[%dma_start3A_10, %dma_start3A_11] : memref<512x128xf32, #tpu.memory_space<vmem>> -> memref<128x128xf32, #tpu.memory_space<vmem>>
      %dma_start3A_13 = arith.constant 0 : i32
      %dma_start3A_14 = tpu.memref_slice %arg7[%dma_start3A_9, %dma_start3A_13] : memref<8x128xi32, #tpu.memory_space<vmem>> -> memref<1x128xi32, #tpu.memory_space<vmem>>
      %dma_start3A_15 = tpu.memref_squeeze %dma_start3A_14 : memref<1x128xi32, #tpu.memory_space<vmem>> -> memref<128xi32, #tpu.memory_space<vmem>>
      %dma_start3A_16 = arith.constant 0 : i32
      %dma_start3A_17 = arith.constant 0 : i32
      %dma_start3A_18 = tpu.memref_slice %arg4[%dma_start3A_16, %dma_start3A_17] : memref<25600x128xf32, #tpu.memory_space<hbm>> -> memref<25600x128xf32, #tpu.memory_space<hbm>>
      tpu.enqueue_indirect_dma source(%dma_start3A_18 : memref<25600x128xf32, #tpu.memory_space<hbm>>) target(%dma_start3A_12 : memref<128x128xf32, #tpu.memory_space<vmem>>) offsets(%dma_start3A_15 : memref<128xi32, #tpu.memory_space<vmem>>) semaphore(%arg9 : memref<!tpu.dma_semaphore, #tpu.memory_space<semaphore_mem>>)
      %dma_start3A_19 = arith.constant 1 : i32
      %dma_start3A_20 = arith.constant 128 : i32
      %dma_start3A_21 = arith.constant 0 : i32
      %dma_start3A_22 = tpu.memref_slice %arg8[%dma_start3A_20, %dma_start3A_21] : memref<512x128xf32, #tpu.memory_space<vmem>> -> memref<128x128xf32, #tpu.memory_space<vmem>>
      %dma_start3A_23 = arith.constant 0 : i32
      %dma_start3A_24 = tpu.memref_slice %arg7[%dma_start3A_19, %dma_start3A_23] : memref<8x128xi32, #tpu.memory_space<vmem>> -> memref<1x128xi32, #tpu.memory_space<vmem>>
      %dma_start3A_25 = tpu.memref_squeeze %dma_start3A_24 : memref<1x128xi32, #tpu.memory_space<vmem>> -> memref<128xi32, #tpu.memory_space<vmem>>
      %dma_start3A_26 = arith.constant 0 : i32
      %dma_start3A_27 = arith.constant 0 : i32
      %dma_start3A_28 = tpu.memref_slice %arg4[%dma_start3A_26, %dma_start3A_27] : memref<25600x128xf32, #tpu.memory_space<hbm>> -> memref<25600x128xf32, #tpu.memory_space<hbm>>
      tpu.enqueue_indirect_dma source(%dma_start3A_28 : memref<25600x128xf32, #tpu.memory_space<hbm>>) target(%dma_start3A_22 : memref<128x128xf32, #tpu.memory_space<vmem>>) offsets(%dma_start3A_25 : memref<128xi32, #tpu.memory_space<vmem>>) semaphore(%arg9 : memref<!tpu.dma_semaphore, #tpu.memory_space<semaphore_mem>>)
      %dma_start3A_29 = arith.constant 2 : i32
      %dma_start3A_30 = arith.constant 256 : i32
      %dma_start3A_31 = arith.constant 0 : i32
      %dma_start3A_32 = tpu.memref_slice %arg8[%dma_start3A_30, %dma_start3A_31] : memref<512x128xf32, #tpu.memory_space<vmem>> -> memref<128x128xf32, #tpu.memory_space<vmem>>
      %dma_start3A_33 = arith.constant 0 : i32
      %dma_start3A_34 = tpu.memref_slice %arg7[%dma_start3A_29, %dma_start3A_33] : memref<8x128xi32, #tpu.memory_space<vmem>> -> memref<1x128xi32, #tpu.memory_space<vmem>>
      %dma_start3A_35 = tpu.memref_squeeze %dma_start3A_34 : memref<1x128xi32, #tpu.memory_space<vmem>> -> memref<128xi32, #tpu.memory_space<vmem>>
      %dma_start3A_36 = arith.constant 0 : i32
      %dma_start3A_37 = arith.constant 0 : i32
      %dma_start3A_38 = tpu.memref_slice %arg4[%dma_start3A_36, %dma_start3A_37] : memref<25600x128xf32, #tpu.memory_space<hbm>> -> memref<25600x128xf32, #tpu.memory_space<hbm>>
      tpu.enqueue_indirect_dma source(%dma_start3A_38 : memref<25600x128xf32, #tpu.memory_space<hbm>>) target(%dma_start3A_32 : memref<128x128xf32, #tpu.memory_space<vmem>>) offsets(%dma_start3A_35 : memref<128xi32, #tpu.memory_space<vmem>>) semaphore(%arg9 : memref<!tpu.dma_semaphore, #tpu.memory_space<semaphore_mem>>)
      %dma_start3A_39 = arith.constant 3 : i32
      %dma_start3A_40 = arith.constant 384 : i32
      %dma_start3A_41 = arith.constant 0 : i32
      %dma_start3A_42 = tpu.memref_slice %arg8[%dma_start3A_40, %dma_start3A_41] : memref<512x128xf32, #tpu.memory_space<vmem>> -> memref<128x128xf32, #tpu.memory_space<vmem>>
      %dma_start3A_43 = arith.constant 0 : i32
      %dma_start3A_44 = tpu.memref_slice %arg7[%dma_start3A_39, %dma_start3A_43] : memref<8x128xi32, #tpu.memory_space<vmem>> -> memref<1x128xi32, #tpu.memory_space<vmem>>
      %dma_start3A_45 = tpu.memref_squeeze %dma_start3A_44 : memref<1x128xi32, #tpu.memory_space<vmem>> -> memref<128xi32, #tpu.memory_space<vmem>>
      %dma_start3A_46 = arith.constant 0 : i32
      %dma_start3A_47 = arith.constant 0 : i32
      %dma_start3A_48 = tpu.memref_slice %arg4[%dma_start3A_46, %dma_start3A_47] : memref<25600x128xf32, #tpu.memory_space<hbm>> -> memref<25600x128xf32, #tpu.memory_space<hbm>>
      tpu.enqueue_indirect_dma source(%dma_start3A_48 : memref<25600x128xf32, #tpu.memory_space<hbm>>) target(%dma_start3A_42 : memref<128x128xf32, #tpu.memory_space<vmem>>) offsets(%dma_start3A_45 : memref<128xi32, #tpu.memory_space<vmem>>) semaphore(%arg9 : memref<!tpu.dma_semaphore, #tpu.memory_space<semaphore_mem>>)
      %dma_wait3A_49 = arith.constant 0 : i32
      %dma_wait3A_50 = arith.constant 0 : i32
      %dma_wait3A_51 = arith.constant 0 : i32
      %dma_wait3A_52 = tpu.memref_slice %arg8[%dma_wait3A_50, %dma_wait3A_51] : memref<512x128xf32, #tpu.memory_space<vmem>> -> memref<128x128xf32, #tpu.memory_space<vmem>>
      %dma_wait3A_53 = arith.constant 0 : i32
      %dma_wait3A_54 = tpu.memref_slice %arg7[%dma_wait3A_49, %dma_wait3A_53] : memref<8x128xi32, #tpu.memory_space<vmem>> -> memref<1x128xi32, #tpu.memory_space<vmem>>
      %dma_wait3A_55 = tpu.memref_squeeze %dma_wait3A_54 : memref<1x128xi32, #tpu.memory_space<vmem>> -> memref<128xi32, #tpu.memory_space<vmem>>
      %dma_wait3A_56 = arith.constant 0 : i32
      %dma_wait3A_57 = arith.constant 0 : i32
      %dma_wait3A_58 = tpu.memref_slice %arg4[%dma_wait3A_56, %dma_wait3A_57] : memref<25600x128xf32, #tpu.memory_space<hbm>> -> memref<25600x128xf32, #tpu.memory_space<hbm>>
      tpu.wait_indirect_dma semaphore(%arg9 : memref<!tpu.dma_semaphore, #tpu.memory_space<semaphore_mem>>) src(%dma_wait3A_58 : memref<25600x128xf32, #tpu.memory_space<hbm>>) dst(%dma_wait3A_52 : memref<128x128xf32, #tpu.memory_space<vmem>>)
      %dma_wait3A_59 = arith.constant 1 : i32
      %dma_wait3A_60 = arith.constant 128 : i32
      %dma_wait3A_61 = arith.constant 0 : i32
      %dma_wait3A_62 = tpu.memref_slice %arg8[%dma_wait3A_60, %dma_wait3A_61] : memref<512x128xf32, #tpu.memory_space<vmem>> -> memref<128x128xf32, #tpu.memory_space<vmem>>
      %dma_wait3A_63 = arith.constant 0 : i32
      %dma_wait3A_64 = tpu.memref_slice %arg7[%dma_wait3A_59, %dma_wait3A_63] : memref<8x128xi32, #tpu.memory_space<vmem>> -> memref<1x128xi32, #tpu.memory_space<vmem>>
      %dma_wait3A_65 = tpu.memref_squeeze %dma_wait3A_64 : memref<1x128xi32, #tpu.memory_space<vmem>> -> memref<128xi32, #tpu.memory_space<vmem>>
      %dma_wait3A_66 = arith.constant 0 : i32
      %dma_wait3A_67 = arith.constant 0 : i32
      %dma_wait3A_68 = tpu.memref_slice %arg4[%dma_wait3A_66, %dma_wait3A_67] : memref<25600x128xf32, #tpu.memory_space<hbm>> -> memref<25600x128xf32, #tpu.memory_space<hbm>>
      tpu.wait_indirect_dma semaphore(%arg9 : memref<!tpu.dma_semaphore, #tpu.memory_space<semaphore_mem>>) src(%dma_wait3A_68 : memref<25600x128xf32, #tpu.memory_space<hbm>>) dst(%dma_wait3A_62 : memref<128x128xf32, #tpu.memory_space<vmem>>)
      %dma_wait3A_69 = arith.constant 2 : i32
      %dma_wait3A_70 = arith.constant 256 : i32
      %dma_wait3A_71 = arith.constant 0 : i32
      %dma_wait3A_72 = tpu.memref_slice %arg8[%dma_wait3A_70, %dma_wait3A_71] : memref<512x128xf32, #tpu.memory_space<vmem>> -> memref<128x128xf32, #tpu.memory_space<vmem>>
      %dma_wait3A_73 = arith.constant 0 : i32
      %dma_wait3A_74 = tpu.memref_slice %arg7[%dma_wait3A_69, %dma_wait3A_73] : memref<8x128xi32, #tpu.memory_space<vmem>> -> memref<1x128xi32, #tpu.memory_space<vmem>>
      %dma_wait3A_75 = tpu.memref_squeeze %dma_wait3A_74 : memref<1x128xi32, #tpu.memory_space<vmem>> -> memref<128xi32, #tpu.memory_space<vmem>>
      %dma_wait3A_76 = arith.constant 0 : i32
      %dma_wait3A_77 = arith.constant 0 : i32
      %dma_wait3A_78 = tpu.memref_slice %arg4[%dma_wait3A_76, %dma_wait3A_77] : memref<25600x128xf32, #tpu.memory_space<hbm>> -> memref<25600x128xf32, #tpu.memory_space<hbm>>
      tpu.wait_indirect_dma semaphore(%arg9 : memref<!tpu.dma_semaphore, #tpu.memory_space<semaphore_mem>>) src(%dma_wait3A_78 : memref<25600x128xf32, #tpu.memory_space<hbm>>) dst(%dma_wait3A_72 : memref<128x128xf32, #tpu.memory_space<vmem>>)
      %dma_wait3A_79 = arith.constant 3 : i32
      %dma_wait3A_80 = arith.constant 384 : i32
      %dma_wait3A_81 = arith.constant 0 : i32
      %dma_wait3A_82 = tpu.memref_slice %arg8[%dma_wait3A_80, %dma_wait3A_81] : memref<512x128xf32, #tpu.memory_space<vmem>> -> memref<128x128xf32, #tpu.memory_space<vmem>>
      %dma_wait3A_83 = arith.constant 0 : i32
      %dma_wait3A_84 = tpu.memref_slice %arg7[%dma_wait3A_79, %dma_wait3A_83] : memref<8x128xi32, #tpu.memory_space<vmem>> -> memref<1x128xi32, #tpu.memory_space<vmem>>
      %dma_wait3A_85 = tpu.memref_squeeze %dma_wait3A_84 : memref<1x128xi32, #tpu.memory_space<vmem>> -> memref<128xi32, #tpu.memory_space<vmem>>
      %dma_wait3A_86 = arith.constant 0 : i32
      %dma_wait3A_87 = arith.constant 0 : i32
      %dma_wait3A_88 = tpu.memref_slice %arg4[%dma_wait3A_86, %dma_wait3A_87] : memref<25600x128xf32, #tpu.memory_space<hbm>> -> memref<25600x128xf32, #tpu.memory_space<hbm>>
      tpu.wait_indirect_dma semaphore(%arg9 : memref<!tpu.dma_semaphore, #tpu.memory_space<semaphore_mem>>) src(%dma_wait3A_88 : memref<25600x128xf32, #tpu.memory_space<hbm>>) dst(%dma_wait3A_82 : memref<128x128xf32, #tpu.memory_space<vmem>>)
      %add3A_89 = arith.constant 0 : i32
      %add3A_90 = arith.addi %mul3A_4, %add3A_89 : i32
      %mul3A_91 = arith.constant 128 : i32
      %mul3A_92 = arith.muli %add3A_90, %mul3A_91 : i32
      "tpu.region"() ({
        %run_scoped3A = tpu.sem_alloc : memref<!tpu.dma_semaphore, #tpu.memory_space<semaphore_mem>>
        %dma_start3A_177 = arith.constant 0 : i32
        %dma_start3A_178 = tpu.memref_slice %arg5[%mul3A_92, %dma_start3A_177] : memref<32768x128xf32, #tpu.memory_space<hbm>> -> memref<512x128xf32, #tpu.memory_space<hbm>>
        %dma_start3A_179 = arith.constant 0 : i32
        %dma_start3A_180 = tpu.memref_slice %arg5[%mul3A_92, %dma_start3A_179] : memref<32768x128xf32, #tpu.memory_space<hbm>> -> memref<512x128xf32, #tpu.memory_space<hbm>>
        tpu.enqueue_dma source(%arg8 : memref<512x128xf32, #tpu.memory_space<vmem>>) target(%dma_start3A_180 : memref<512x128xf32, #tpu.memory_space<hbm>>) target_semaphore(%run_scoped3A : memref<!tpu.dma_semaphore, #tpu.memory_space<semaphore_mem>>)
        %dma_wait3A_181 = arith.constant 0 : i32
        %dma_wait3A_182 = tpu.memref_slice %arg5[%mul3A_92, %dma_wait3A_181] : memref<32768x128xf32, #tpu.memory_space<hbm>> -> memref<512x128xf32, #tpu.memory_space<hbm>>
        %dma_wait3A_183 = arith.constant 0 : i32
        %dma_wait3A_184 = tpu.memref_slice %arg5[%mul3A_92, %dma_wait3A_183] : memref<32768x128xf32, #tpu.memory_space<hbm>> -> memref<512x128xf32, #tpu.memory_space<hbm>>
        tpu.wait_dma2 semaphore(%run_scoped3A : memref<!tpu.dma_semaphore, #tpu.memory_space<semaphore_mem>>) src(%arg8 : memref<512x128xf32, #tpu.memory_space<vmem>>) dst(%dma_wait3A_184 : memref<512x128xf32, #tpu.memory_space<hbm>>)
        tpu.yield
      }) : () -> ()
      %dma_start3A_93 = arith.constant 4 : i32
      %dma_start3A_94 = arith.constant 0 : i32
      %dma_start3A_95 = arith.constant 0 : i32
      %dma_start3A_96 = tpu.memref_slice %arg8[%dma_start3A_94, %dma_start3A_95] : memref<512x128xf32, #tpu.memory_space<vmem>> -> memref<128x128xf32, #tpu.memory_space<vmem>>
      %dma_start3A_97 = arith.constant 0 : i32
      %dma_start3A_98 = tpu.memref_slice %arg7[%dma_start3A_93, %dma_start3A_97] : memref<8x128xi32, #tpu.memory_space<vmem>> -> memref<1x128xi32, #tpu.memory_space<vmem>>
      %dma_start3A_99 = tpu.memref_squeeze %dma_start3A_98 : memref<1x128xi32, #tpu.memory_space<vmem>> -> memref<128xi32, #tpu.memory_space<vmem>>
      %dma_start3A_100 = arith.constant 0 : i32
      %dma_start3A_101 = arith.constant 0 : i32
      %dma_start3A_102 = tpu.memref_slice %arg4[%dma_start3A_100, %dma_start3A_101] : memref<25600x128xf32, #tpu.memory_space<hbm>> -> memref<25600x128xf32, #tpu.memory_space<hbm>>
      tpu.enqueue_indirect_dma source(%dma_start3A_102 : memref<25600x128xf32, #tpu.memory_space<hbm>>) target(%dma_start3A_96 : memref<128x128xf32, #tpu.memory_space<vmem>>) offsets(%dma_start3A_99 : memref<128xi32, #tpu.memory_space<vmem>>) semaphore(%arg9 : memref<!tpu.dma_semaphore, #tpu.memory_space<semaphore_mem>>)
      %dma_start3A_103 = arith.constant 5 : i32
      %dma_start3A_104 = arith.constant 128 : i32
      %dma_start3A_105 = arith.constant 0 : i32
      %dma_start3A_106 = tpu.memref_slice %arg8[%dma_start3A_104, %dma_start3A_105] : memref<512x128xf32, #tpu.memory_space<vmem>> -> memref<128x128xf32, #tpu.memory_space<vmem>>
      %dma_start3A_107 = arith.constant 0 : i32
      %dma_start3A_108 = tpu.memref_slice %arg7[%dma_start3A_103, %dma_start3A_107] : memref<8x128xi32, #tpu.memory_space<vmem>> -> memref<1x128xi32, #tpu.memory_space<vmem>>
      %dma_start3A_109 = tpu.memref_squeeze %dma_start3A_108 : memref<1x128xi32, #tpu.memory_space<vmem>> -> memref<128xi32, #tpu.memory_space<vmem>>
      %dma_start3A_110 = arith.constant 0 : i32
      %dma_start3A_111 = arith.constant 0 : i32
      %dma_start3A_112 = tpu.memref_slice %arg4[%dma_start3A_110, %dma_start3A_111] : memref<25600x128xf32, #tpu.memory_space<hbm>> -> memref<25600x128xf32, #tpu.memory_space<hbm>>
      tpu.enqueue_indirect_dma source(%dma_start3A_112 : memref<25600x128xf32, #tpu.memory_space<hbm>>) target(%dma_start3A_106 : memref<128x128xf32, #tpu.memory_space<vmem>>) offsets(%dma_start3A_109 : memref<128xi32, #tpu.memory_space<vmem>>) semaphore(%arg9 : memref<!tpu.dma_semaphore, #tpu.memory_space<semaphore_mem>>)
      %dma_start3A_113 = arith.constant 6 : i32
      %dma_start3A_114 = arith.constant 256 : i32
      %dma_start3A_115 = arith.constant 0 : i32
      %dma_start3A_116 = tpu.memref_slice %arg8[%dma_start3A_114, %dma_start3A_115] : memref<512x128xf32, #tpu.memory_space<vmem>> -> memref<128x128xf32, #tpu.memory_space<vmem>>
      %dma_start3A_117 = arith.constant 0 : i32
      %dma_start3A_118 = tpu.memref_slice %arg7[%dma_start3A_113, %dma_start3A_117] : memref<8x128xi32, #tpu.memory_space<vmem>> -> memref<1x128xi32, #tpu.memory_space<vmem>>
      %dma_start3A_119 = tpu.memref_squeeze %dma_start3A_118 : memref<1x128xi32, #tpu.memory_space<vmem>> -> memref<128xi32, #tpu.memory_space<vmem>>
      %dma_start3A_120 = arith.constant 0 : i32
      %dma_start3A_121 = arith.constant 0 : i32
      %dma_start3A_122 = tpu.memref_slice %arg4[%dma_start3A_120, %dma_start3A_121] : memref<25600x128xf32, #tpu.memory_space<hbm>> -> memref<25600x128xf32, #tpu.memory_space<hbm>>
      tpu.enqueue_indirect_dma source(%dma_start3A_122 : memref<25600x128xf32, #tpu.memory_space<hbm>>) target(%dma_start3A_116 : memref<128x128xf32, #tpu.memory_space<vmem>>) offsets(%dma_start3A_119 : memref<128xi32, #tpu.memory_space<vmem>>) semaphore(%arg9 : memref<!tpu.dma_semaphore, #tpu.memory_space<semaphore_mem>>)
      %dma_start3A_123 = arith.constant 7 : i32
      %dma_start3A_124 = arith.constant 384 : i32
      %dma_start3A_125 = arith.constant 0 : i32
      %dma_start3A_126 = tpu.memref_slice %arg8[%dma_start3A_124, %dma_start3A_125] : memref<512x128xf32, #tpu.memory_space<vmem>> -> memref<128x128xf32, #tpu.memory_space<vmem>>
      %dma_start3A_127 = arith.constant 0 : i32
      %dma_start3A_128 = tpu.memref_slice %arg7[%dma_start3A_123, %dma_start3A_127] : memref<8x128xi32, #tpu.memory_space<vmem>> -> memref<1x128xi32, #tpu.memory_space<vmem>>
      %dma_start3A_129 = tpu.memref_squeeze %dma_start3A_128 : memref<1x128xi32, #tpu.memory_space<vmem>> -> memref<128xi32, #tpu.memory_space<vmem>>
      %dma_start3A_130 = arith.constant 0 : i32
      %dma_start3A_131 = arith.constant 0 : i32
      %dma_start3A_132 = tpu.memref_slice %arg4[%dma_start3A_130, %dma_start3A_131] : memref<25600x128xf32, #tpu.memory_space<hbm>> -> memref<25600x128xf32, #tpu.memory_space<hbm>>
      tpu.enqueue_indirect_dma source(%dma_start3A_132 : memref<25600x128xf32, #tpu.memory_space<hbm>>) target(%dma_start3A_126 : memref<128x128xf32, #tpu.memory_space<vmem>>) offsets(%dma_start3A_129 : memref<128xi32, #tpu.memory_space<vmem>>) semaphore(%arg9 : memref<!tpu.dma_semaphore, #tpu.memory_space<semaphore_mem>>)
      %dma_wait3A_133 = arith.constant 4 : i32
      %dma_wait3A_134 = arith.constant 0 : i32
      %dma_wait3A_135 = arith.constant 0 : i32
      %dma_wait3A_136 = tpu.memref_slice %arg8[%dma_wait3A_134, %dma_wait3A_135] : memref<512x128xf32, #tpu.memory_space<vmem>> -> memref<128x128xf32, #tpu.memory_space<vmem>>
      %dma_wait3A_137 = arith.constant 0 : i32
      %dma_wait3A_138 = tpu.memref_slice %arg7[%dma_wait3A_133, %dma_wait3A_137] : memref<8x128xi32, #tpu.memory_space<vmem>> -> memref<1x128xi32, #tpu.memory_space<vmem>>
      %dma_wait3A_139 = tpu.memref_squeeze %dma_wait3A_138 : memref<1x128xi32, #tpu.memory_space<vmem>> -> memref<128xi32, #tpu.memory_space<vmem>>
      %dma_wait3A_140 = arith.constant 0 : i32
      %dma_wait3A_141 = arith.constant 0 : i32
      %dma_wait3A_142 = tpu.memref_slice %arg4[%dma_wait3A_140, %dma_wait3A_141] : memref<25600x128xf32, #tpu.memory_space<hbm>> -> memref<25600x128xf32, #tpu.memory_space<hbm>>
      tpu.wait_indirect_dma semaphore(%arg9 : memref<!tpu.dma_semaphore, #tpu.memory_space<semaphore_mem>>) src(%dma_wait3A_142 : memref<25600x128xf32, #tpu.memory_space<hbm>>) dst(%dma_wait3A_136 : memref<128x128xf32, #tpu.memory_space<vmem>>)
      %dma_wait3A_143 = arith.constant 5 : i32
      %dma_wait3A_144 = arith.constant 128 : i32
      %dma_wait3A_145 = arith.constant 0 : i32
      %dma_wait3A_146 = tpu.memref_slice %arg8[%dma_wait3A_144, %dma_wait3A_145] : memref<512x128xf32, #tpu.memory_space<vmem>> -> memref<128x128xf32, #tpu.memory_space<vmem>>
      %dma_wait3A_147 = arith.constant 0 : i32
      %dma_wait3A_148 = tpu.memref_slice %arg7[%dma_wait3A_143, %dma_wait3A_147] : memref<8x128xi32, #tpu.memory_space<vmem>> -> memref<1x128xi32, #tpu.memory_space<vmem>>
      %dma_wait3A_149 = tpu.memref_squeeze %dma_wait3A_148 : memref<1x128xi32, #tpu.memory_space<vmem>> -> memref<128xi32, #tpu.memory_space<vmem>>
      %dma_wait3A_150 = arith.constant 0 : i32
      %dma_wait3A_151 = arith.constant 0 : i32
      %dma_wait3A_152 = tpu.memref_slice %arg4[%dma_wait3A_150, %dma_wait3A_151] : memref<25600x128xf32, #tpu.memory_space<hbm>> -> memref<25600x128xf32, #tpu.memory_space<hbm>>
      tpu.wait_indirect_dma semaphore(%arg9 : memref<!tpu.dma_semaphore, #tpu.memory_space<semaphore_mem>>) src(%dma_wait3A_152 : memref<25600x128xf32, #tpu.memory_space<hbm>>) dst(%dma_wait3A_146 : memref<128x128xf32, #tpu.memory_space<vmem>>)
      %dma_wait3A_153 = arith.constant 6 : i32
      %dma_wait3A_154 = arith.constant 256 : i32
      %dma_wait3A_155 = arith.constant 0 : i32
      %dma_wait3A_156 = tpu.memref_slice %arg8[%dma_wait3A_154, %dma_wait3A_155] : memref<512x128xf32, #tpu.memory_space<vmem>> -> memref<128x128xf32, #tpu.memory_space<vmem>>
      %dma_wait3A_157 = arith.constant 0 : i32
      %dma_wait3A_158 = tpu.memref_slice %arg7[%dma_wait3A_153, %dma_wait3A_157] : memref<8x128xi32, #tpu.memory_space<vmem>> -> memref<1x128xi32, #tpu.memory_space<vmem>>
      %dma_wait3A_159 = tpu.memref_squeeze %dma_wait3A_158 : memref<1x128xi32, #tpu.memory_space<vmem>> -> memref<128xi32, #tpu.memory_space<vmem>>
      %dma_wait3A_160 = arith.constant 0 : i32
      %dma_wait3A_161 = arith.constant 0 : i32
      %dma_wait3A_162 = tpu.memref_slice %arg4[%dma_wait3A_160, %dma_wait3A_161] : memref<25600x128xf32, #tpu.memory_space<hbm>> -> memref<25600x128xf32, #tpu.memory_space<hbm>>
      tpu.wait_indirect_dma semaphore(%arg9 : memref<!tpu.dma_semaphore, #tpu.memory_space<semaphore_mem>>) src(%dma_wait3A_162 : memref<25600x128xf32, #tpu.memory_space<hbm>>) dst(%dma_wait3A_156 : memref<128x128xf32, #tpu.memory_space<vmem>>)
      %dma_wait3A_163 = arith.constant 7 : i32
      %dma_wait3A_164 = arith.constant 384 : i32
      %dma_wait3A_165 = arith.constant 0 : i32
      %dma_wait3A_166 = tpu.memref_slice %arg8[%dma_wait3A_164, %dma_wait3A_165] : memref<512x128xf32, #tpu.memory_space<vmem>> -> memref<128x128xf32, #tpu.memory_space<vmem>>
      %dma_wait3A_167 = arith.constant 0 : i32
      %dma_wait3A_168 = tpu.memref_slice %arg7[%dma_wait3A_163, %dma_wait3A_167] : memref<8x128xi32, #tpu.memory_space<vmem>> -> memref<1x128xi32, #tpu.memory_space<vmem>>
      %dma_wait3A_169 = tpu.memref_squeeze %dma_wait3A_168 : memref<1x128xi32, #tpu.memory_space<vmem>> -> memref<128xi32, #tpu.memory_space<vmem>>
      %dma_wait3A_170 = arith.constant 0 : i32
      %dma_wait3A_171 = arith.constant 0 : i32
      %dma_wait3A_172 = tpu.memref_slice %arg4[%dma_wait3A_170, %dma_wait3A_171] : memref<25600x128xf32, #tpu.memory_space<hbm>> -> memref<25600x128xf32, #tpu.memory_space<hbm>>
      tpu.wait_indirect_dma semaphore(%arg9 : memref<!tpu.dma_semaphore, #tpu.memory_space<semaphore_mem>>) src(%dma_wait3A_172 : memref<25600x128xf32, #tpu.memory_space<hbm>>) dst(%dma_wait3A_166 : memref<128x128xf32, #tpu.memory_space<vmem>>)
      %add3A_173 = arith.constant 4 : i32
      %add3A_174 = arith.addi %mul3A_4, %add3A_173 : i32
      %mul3A_175 = arith.constant 128 : i32
      %mul3A_176 = arith.muli %add3A_174, %mul3A_175 : i32
      "tpu.region"() ({
        %run_scoped3A = tpu.sem_alloc : memref<!tpu.dma_semaphore, #tpu.memory_space<semaphore_mem>>
        %dma_start3A_177 = arith.constant 0 : i32
        %dma_start3A_178 = tpu.memref_slice %arg5[%mul3A_176, %dma_start3A_177] : memref<32768x128xf32, #tpu.memory_space<hbm>> -> memref<512x128xf32, #tpu.memory_space<hbm>>
        %dma_start3A_179 = arith.constant 0 : i32
        %dma_start3A_180 = tpu.memref_slice %arg5[%mul3A_176, %dma_start3A_179] : memref<32768x128xf32, #tpu.memory_space<hbm>> -> memref<512x128xf32, #tpu.memory_space<hbm>>
        tpu.enqueue_dma source(%arg8 : memref<512x128xf32, #tpu.memory_space<vmem>>) target(%dma_start3A_180 : memref<512x128xf32, #tpu.memory_space<hbm>>) target_semaphore(%run_scoped3A : memref<!tpu.dma_semaphore, #tpu.memory_space<semaphore_mem>>)
        %dma_wait3A_181 = arith.constant 0 : i32
        %dma_wait3A_182 = tpu.memref_slice %arg5[%mul3A_176, %dma_wait3A_181] : memref<32768x128xf32, #tpu.memory_space<hbm>> -> memref<512x128xf32, #tpu.memory_space<hbm>>
        %dma_wait3A_183 = arith.constant 0 : i32
        %dma_wait3A_184 = tpu.memref_slice %arg5[%mul3A_176, %dma_wait3A_183] : memref<32768x128xf32, #tpu.memory_space<hbm>> -> memref<512x128xf32, #tpu.memory_space<hbm>>
        tpu.wait_dma2 semaphore(%run_scoped3A : memref<!tpu.dma_semaphore, #tpu.memory_space<semaphore_mem>>) src(%arg8 : memref<512x128xf32, #tpu.memory_space<vmem>>) dst(%dma_wait3A_184 : memref<512x128xf32, #tpu.memory_space<hbm>>)
        tpu.yield
      }) : () -> ()
    } else {
    }
    return
  }
}

module attributes {stable_mosaic.version = 14 : i64} {
  func.func @body(%arg0: memref<25600x64xf32, #tpu.memory_space<vmem>>, %arg1: memref<128x256xi32, #tpu.memory_space<vmem>>, %arg2: memref<64x64xf32, #tpu.memory_space<vmem>>, %arg3: memref<64x64xf32, #tpu.memory_space<vmem>>, %arg4: memref<1x64xf32, #tpu.memory_space<vmem>>, %arg5: memref<1x64xf32, #tpu.memory_space<vmem>>, %arg6: memref<64x64xf32, #tpu.memory_space<vmem>>, %arg7: memref<64x64xf32, #tpu.memory_space<vmem>>, %arg8: memref<1x64xf32, #tpu.memory_space<vmem>>, %arg9: memref<1x64xf32, #tpu.memory_space<vmem>>, %arg10: memref<1x4096xf32, #tpu.memory_space<vmem>>, %arg11: memref<4096x1xf32, #tpu.memory_space<vmem>>, %arg12: memref<4096x1xf32, #tpu.memory_space<vmem>>, %arg13: memref<200x128x128xf32, #tpu.memory_space<vmem>>, %arg14: memref<128x128xf32, #tpu.memory_space<vmem>>, %arg15: memref<1x128xf32, #tpu.memory_space<vmem>>, %arg16: memref<256x128xi32, #tpu.memory_space<vmem>>) attributes {dimension_semantics = [], scalar_prefetch = 0 : i64, scratch_operands = 0 : i64, tpu.core_type = #tpu.core_type<tc>} {
    %get3A = arith.constant 0 : index
    %get3A_0 = arith.constant 0 : index
    %get3A_1 = vector.load %arg2[%get3A, %get3A_0] : memref<64x64xf32, #tpu.memory_space<vmem>>, vector<64x64xf32>
    %get3A_2 = arith.constant 0 : index
    %get3A_3 = arith.constant 0 : index
    %get3A_4 = vector.load %arg3[%get3A_2, %get3A_3] : memref<64x64xf32, #tpu.memory_space<vmem>>, vector<64x64xf32>
    %dot_general3A = arith.constant dense<0.000000e+00> : vector<64x64xf32>
    %dot_general3A_5 = tpu.matmul %get3A_1, %get3A_4, %dot_general3A {dimension_numbers = #tpu.dot_dimension_numbers<[1], [0], [0], [1], [0, 0, 1, 1], [], []>, transpose_lhs_hint = false} : vector<64x64xf32>, vector<64x64xf32>, vector<64x64xf32> -> vector<64x64xf32>
    %get3A_6 = arith.constant 0 : index
    %get3A_7 = arith.constant 0 : index
    %get3A_8 = vector.load %arg6[%get3A_6, %get3A_7] : memref<64x64xf32, #tpu.memory_space<vmem>>, vector<64x64xf32>
    %get3A_9 = arith.constant 0 : index
    %get3A_10 = arith.constant 0 : index
    %get3A_11 = vector.load %arg7[%get3A_9, %get3A_10] : memref<64x64xf32, #tpu.memory_space<vmem>>, vector<64x64xf32>
    %dot_general3A_12 = arith.constant dense<0.000000e+00> : vector<64x64xf32>
    %dot_general3A_13 = tpu.matmul %get3A_8, %get3A_11, %dot_general3A_12 {dimension_numbers = #tpu.dot_dimension_numbers<[1], [0], [0], [1], [0, 0, 1, 1], [], []>, transpose_lhs_hint = false} : vector<64x64xf32>, vector<64x64xf32>, vector<64x64xf32> -> vector<64x64xf32>
    %concatenate3A = tpu.concatenate %dot_general3A_5, %dot_general3A_13 in 1 : vector<64x64xf32>, vector<64x64xf32> -> vector<64x128xf32>
    %get3A_14 = arith.constant 0 : index
    %get3A_15 = arith.constant 0 : index
    %get3A_16 = vector.load %arg0[%get3A_14, %get3A_15] : memref<25600x64xf32, #tpu.memory_space<vmem>>, vector<25600x64xf32>
    %dot_general3A_17 = arith.constant dense<0.000000e+00> : vector<25600x128xf32>
    %dot_general3A_18 = tpu.matmul %get3A_16, %concatenate3A, %dot_general3A_17 {dimension_numbers = #tpu.dot_dimension_numbers<[1], [0], [0], [1], [0, 0, 1, 1], [], []>, transpose_lhs_hint = false} : vector<25600x64xf32>, vector<64x128xf32>, vector<25600x128xf32> -> vector<25600x128xf32>
    %reshape3A = vector.shape_cast %dot_general3A_18 : vector<25600x128xf32> to vector<200x128x128xf32>
    %swap3A = arith.constant 0 : index
    %swap3A_19 = arith.constant 0 : index
    %swap3A_20 = arith.constant 0 : index
    %swap3A_21 = vector.load %arg13[%swap3A, %swap3A_19, %swap3A_20] : memref<200x128x128xf32, #tpu.memory_space<vmem>>, vector<200x128x128xf32>
    tpu.vector_store %arg13[%swap3A, %swap3A_19, %swap3A_20], %reshape3A {strides = array<i32>} : memref<200x128x128xf32, #tpu.memory_space<vmem>>, vector<200x128x128xf32>,
    %get3A_22 = arith.constant 0 : index
    %get3A_23 = arith.constant 0 : index
    %get3A_24 = vector.load %arg4[%get3A_22, %get3A_23] : memref<1x64xf32, #tpu.memory_space<vmem>>, vector<1x64xf32>
    %get3A_25 = arith.constant 0 : index
    %get3A_26 = arith.constant 0 : index
    %get3A_27 = vector.load %arg3[%get3A_25, %get3A_26] : memref<64x64xf32, #tpu.memory_space<vmem>>, vector<64x64xf32>
    %dot_general3A_28 = arith.constant dense<0.000000e+00> : vector<1x64xf32>
    %dot_general3A_29 = tpu.matmul %get3A_24, %get3A_27, %dot_general3A_28 {dimension_numbers = #tpu.dot_dimension_numbers<[1], [0], [0], [1], [0, 0, 1, 1], [], []>, transpose_lhs_hint = false} : vector<1x64xf32>, vector<64x64xf32>, vector<1x64xf32> -> vector<1x64xf32>
    %get3A_30 = arith.constant 0 : index
    %get3A_31 = arith.constant 0 : index
    %get3A_32 = vector.load %arg5[%get3A_30, %get3A_31] : memref<1x64xf32, #tpu.memory_space<vmem>>, vector<1x64xf32>
    %add3A = arith.addf %dot_general3A_29, %get3A_32 : vector<1x64xf32>
    %get3A_33 = arith.constant 0 : index
    %get3A_34 = arith.constant 0 : index
    %get3A_35 = vector.load %arg8[%get3A_33, %get3A_34] : memref<1x64xf32, #tpu.memory_space<vmem>>, vector<1x64xf32>
    %get3A_36 = arith.constant 0 : index
    %get3A_37 = arith.constant 0 : index
    %get3A_38 = vector.load %arg7[%get3A_36, %get3A_37] : memref<64x64xf32, #tpu.memory_space<vmem>>, vector<64x64xf32>
    %dot_general3A_39 = arith.constant dense<0.000000e+00> : vector<1x64xf32>
    %dot_general3A_40 = tpu.matmul %get3A_35, %get3A_38, %dot_general3A_39 {dimension_numbers = #tpu.dot_dimension_numbers<[1], [0], [0], [1], [0, 0, 1, 1], [], []>, transpose_lhs_hint = false} : vector<1x64xf32>, vector<64x64xf32>, vector<1x64xf32> -> vector<1x64xf32>
    %get3A_41 = arith.constant 0 : index
    %get3A_42 = arith.constant 0 : index
    %get3A_43 = vector.load %arg9[%get3A_41, %get3A_42] : memref<1x64xf32, #tpu.memory_space<vmem>>, vector<1x64xf32>
    %add3A_44 = arith.addf %dot_general3A_40, %get3A_43 : vector<1x64xf32>
    %concatenate3A_45 = tpu.concatenate %add3A, %add3A_44 in 1 : vector<1x64xf32>, vector<1x64xf32> -> vector<1x128xf32>
    %swap3A_46 = arith.constant 0 : index
    %swap3A_47 = arith.constant 0 : index
    %swap3A_48 = vector.load %arg15[%swap3A_46, %swap3A_47] : memref<1x128xf32, #tpu.memory_space<vmem>>, vector<1x128xf32>
    tpu.vector_store %arg15[%swap3A_46, %swap3A_47], %concatenate3A_45 {strides = array<i32>} : memref<1x128xf32, #tpu.memory_space<vmem>>, vector<1x128xf32>,
    %get3A_49 = arith.constant 0 : index
    %get3A_50 = arith.constant 0 : index
    %get3A_51 = vector.load %arg10[%get3A_49, %get3A_50] : memref<1x4096xf32, #tpu.memory_space<vmem>>, vector<1x4096xf32>
    %convert_element_type3A = arith.fptosi %get3A_51 : vector<1x4096xf32> to vector<1x4096xi32>
    %get3A_52 = arith.constant 0 : index
    %get3A_53 = arith.constant 0 : index
    %get3A_54 = vector.load %arg11[%get3A_52, %get3A_53] : memref<4096x1xf32, #tpu.memory_space<vmem>>, vector<4096x1xf32>
    %convert_element_type3A_55 = arith.fptosi %get3A_54 : vector<4096x1xf32> to vector<4096x1xi32>
    %get3A_56 = arith.constant 0 : index
    %get3A_57 = arith.constant 0 : index
    %get3A_58 = vector.load %arg12[%get3A_56, %get3A_57] : memref<4096x1xf32, #tpu.memory_space<vmem>>, vector<4096x1xf32>
    %convert_element_type3A_59 = arith.fptosi %get3A_58 : vector<4096x1xf32> to vector<4096x1xi32>
    %iota3A = tpu.iota {dimensions = array<i32: 0>} : vector<128x4096xi32>
    %eq3A = vector.broadcast %convert_element_type3A : vector<1x4096xi32> to vector<128x4096xi32>
    %eq3A_60 = arith.cmpi eq, %iota3A, %eq3A : vector<128x4096xi32>
    %convert_element_type3A_61 = arith.extui %eq3A_60 : vector<128x4096xi1> to vector<128x4096xi32>
    %convert_element_type3A_62 = arith.sitofp %convert_element_type3A_61 : vector<128x4096xi32> to vector<128x4096xf32>
    %iota3A_63 = tpu.iota {dimensions = array<i32: 1>} : vector<4096x128xi32>
    %eq3A_64 = vector.broadcast %convert_element_type3A_55 : vector<4096x1xi32> to vector<4096x128xi32>
    %eq3A_65 = arith.cmpi eq, %iota3A_63, %eq3A_64 : vector<4096x128xi32>
    %convert_element_type3A_66 = arith.extui %eq3A_65 : vector<4096x128xi1> to vector<4096x128xi32>
    %convert_element_type3A_67 = arith.sitofp %convert_element_type3A_66 : vector<4096x128xi32> to vector<4096x128xf32>
    %eq3A_68 = vector.broadcast %convert_element_type3A_59 : vector<4096x1xi32> to vector<4096x128xi32>
    %eq3A_69 = arith.cmpi eq, %iota3A_63, %eq3A_68 : vector<4096x128xi32>
    %convert_element_type3A_70 = arith.extui %eq3A_69 : vector<4096x128xi1> to vector<4096x128xi32>
    %convert_element_type3A_71 = arith.sitofp %convert_element_type3A_70 : vector<4096x128xi32> to vector<4096x128xf32>
    %dot_general3A_72 = arith.constant dense<0.000000e+00> : vector<128x128xf32>
    %dot_general3A_73 = tpu.matmul %convert_element_type3A_62, %convert_element_type3A_67, %dot_general3A_72 {dimension_numbers = #tpu.dot_dimension_numbers<[1], [0], [0], [1], [0, 0, 1, 1], [], []>, transpose_lhs_hint = false} : vector<128x4096xf32>, vector<4096x128xf32>, vector<128x128xf32> -> vector<128x128xf32>
    %reduce_sum3A = arith.constant dense<0.000000e+00> : vector<128xf32>
    %reduce_sum3A_74 = vector.multi_reduction <add>, %convert_element_type3A_62, %reduce_sum3A [1] : vector<128x4096xf32> to vector<128xf32>
    %broadcast_in_dim3A = vector.shape_cast %reduce_sum3A_74 : vector<128xf32> to vector<128x1xf32>
    %add3A_75 = arith.constant 1.000000e+00 : f32
    %add3A_76 = vector.broadcast %add3A_75 : f32 to vector<128x1xf32>
    %add3A_77 = arith.addf %broadcast_in_dim3A, %add3A_76 : vector<128x1xf32>
    %reduce_sum3A_78 = arith.constant dense<0.000000e+00> : vector<128xf32>
    %reduce_sum3A_79 = vector.multi_reduction <add>, %convert_element_type3A_71, %reduce_sum3A_78 [0] : vector<4096x128xf32> to vector<128xf32>
    %broadcast_in_dim3A_80 = vector.shape_cast %reduce_sum3A_79 : vector<128xf32> to vector<1x128xf32>
    %add3A_81 = arith.constant 1.000000e+00 : f32
    %add3A_82 = vector.broadcast %add3A_81 : f32 to vector<1x128xf32>
    %add3A_83 = arith.addf %broadcast_in_dim3A_80, %add3A_82 : vector<1x128xf32>
    %rsqrt3A = math.rsqrt %add3A_77 : vector<128x1xf32>
    %rsqrt3A_84 = math.rsqrt %add3A_83 : vector<1x128xf32>
    %iota3A_85 = tpu.iota {dimensions = array<i32: 0>} : vector<128x128xi32>
    %iota3A_86 = tpu.iota {dimensions = array<i32: 1>} : vector<128x128xi32>
    %eq3A_87 = arith.cmpi eq, %iota3A_85, %iota3A_86 : vector<128x128xi32>
    %convert_element_type3A_88 = arith.extui %eq3A_87 : vector<128x128xi1> to vector<128x128xi32>
    %convert_element_type3A_89 = arith.sitofp %convert_element_type3A_88 : vector<128x128xi32> to vector<128x128xf32>
    %add3A_90 = arith.addf %dot_general3A_73, %convert_element_type3A_89 : vector<128x128xf32>
    %mul3A = vector.broadcast %rsqrt3A : vector<128x1xf32> to vector<128x128xf32>
    %mul3A_91 = arith.mulf %add3A_90, %mul3A : vector<128x128xf32>
    %mul3A_92 = vector.broadcast %rsqrt3A_84 : vector<1x128xf32> to vector<128x128xf32>
    %mul3A_93 = arith.mulf %mul3A_91, %mul3A_92 : vector<128x128xf32>
    %swap3A_94 = arith.constant 0 : index
    %swap3A_95 = arith.constant 0 : index
    %swap3A_96 = vector.load %arg14[%swap3A_94, %swap3A_95] : memref<128x128xf32, #tpu.memory_space<vmem>>, vector<128x128xf32>
    tpu.vector_store %arg14[%swap3A_94, %swap3A_95], %mul3A_93 {strides = array<i32>} : memref<128x128xf32, #tpu.memory_space<vmem>>, vector<128x128xf32>,
    %get3A_97 = arith.constant 0 : index
    %get3A_98 = arith.constant 0 : index
    %get3A_99 = vector.load %arg1[%get3A_97, %get3A_98] : memref<128x256xi32, #tpu.memory_space<vmem>>, vector<128x256xi32>
    %convert_element_type3A_100 = arith.sitofp %get3A_99 : vector<128x256xi32> to vector<128x256xf32>
    %transpose3A = tpu.transpose %convert_element_type3A_100, [1, 0] : vector<128x256xf32> -> vector<256x128xf32>
    %convert_element_type3A_101 = arith.fptosi %transpose3A : vector<256x128xf32> to vector<256x128xi32>
    %iota3A_102 = tpu.iota {dimensions = array<i32: 0>} : vector<256x128xi32>
    %mul3A_103 = arith.constant 100 : i32
    %mul3A_104 = vector.broadcast %mul3A_103 : i32 to vector<256x128xi32>
    %mul3A_105 = arith.muli %mul3A_104, %iota3A_102 : vector<256x128xi32>
    %add3A_106 = arith.addi %convert_element_type3A_101, %mul3A_105 : vector<256x128xi32>
    %swap3A_107 = arith.constant 0 : index
    %swap3A_108 = arith.constant 0 : index
    %swap3A_109 = vector.load %arg16[%swap3A_107, %swap3A_108] : memref<256x128xi32, #tpu.memory_space<vmem>>, vector<256x128xi32>
    tpu.vector_store %arg16[%swap3A_107, %swap3A_108], %add3A_106 {strides = array<i32>} : memref<256x128xi32, #tpu.memory_space<vmem>>, vector<256x128xi32>,
    return
  }
}

module attributes {stable_mosaic.version = 14 : i64} {
  func.func @body(%arg0: memref<256x16384xf32, #tpu.memory_space<vmem>>, %arg1: memref<128x128xf32, #tpu.memory_space<vmem>>, %arg2: memref<1x128xf32, #tpu.memory_space<vmem>>, %arg3: memref<1x37xf32, #tpu.memory_space<vmem>>, %arg4: memref<128x1xi32, #tpu.memory_space<vmem>>, %arg5: memref<64x128xf32, #tpu.memory_space<vmem>>, %arg6: memref<1x128xf32, #tpu.memory_space<vmem>>, %arg7: memref<128x2xf32, #tpu.memory_space<vmem>>, %arg8: memref<1x2xf32, #tpu.memory_space<vmem>>, %arg9: memref<128x2xf32, #tpu.memory_space<vmem>>) attributes {dimension_semantics = [], scalar_prefetch = 0 : i64, scratch_operands = 0 : i64, tpu.core_type = #tpu.core_type<tc>} {
    %get3A = arith.constant 0 : index
    %get3A_0 = arith.constant 0 : index
    %get3A_1 = vector.load %arg1[%get3A, %get3A_0] : memref<128x128xf32, #tpu.memory_space<vmem>>, vector<128x128xf32>
    %iota3A = tpu.iota {dimensions = array<i32: 1>} : vector<128x16384xi32>
    %rem3A = arith.constant 128 : i32
    %rem3A_2 = vector.broadcast %rem3A : i32 to vector<128x16384xi32>
    %rem3A_3 = arith.remsi %iota3A, %rem3A_2 : vector<128x16384xi32>
    %iota3A_4 = tpu.iota {dimensions = array<i32: 0>} : vector<128x16384xi32>
    %eq3A = arith.cmpi eq, %rem3A_3, %iota3A_4 : vector<128x16384xi32>
    %convert_element_type3A = arith.extui %eq3A : vector<128x16384xi1> to vector<128x16384xi32>
    %convert_element_type3A_5 = arith.sitofp %convert_element_type3A : vector<128x16384xi32> to vector<128x16384xf32>
    %get3A_6 = arith.constant 0 : index
    %get3A_7 = arith.constant 0 : index
    %get3A_8 = vector.load %arg2[%get3A_6, %get3A_7] : memref<1x128xf32, #tpu.memory_space<vmem>>, vector<1x128xf32>
    %dot_general3A = arith.constant dense<0.000000e+00> : vector<1x16384xf32>
    %dot_general3A_9 = tpu.matmul %get3A_8, %convert_element_type3A_5, %dot_general3A {dimension_numbers = #tpu.dot_dimension_numbers<[1], [0], [0], [1], [0, 0, 1, 1], [], []>, transpose_lhs_hint = false} : vector<1x128xf32>, vector<128x16384xf32>, vector<1x16384xf32> -> vector<1x16384xf32>
    %iota3A_10 = tpu.iota {dimensions = array<i32: 1>} : vector<1x16384xi32>
    %rem3A_11 = arith.constant 128 : i32
    %rem3A_12 = vector.broadcast %rem3A_11 : i32 to vector<1x16384xi32>
    %rem3A_13 = arith.remsi %iota3A_10, %rem3A_12 : vector<1x16384xi32>
    %lt3A = arith.constant 64 : i32
    %lt3A_14 = vector.broadcast %lt3A : i32 to vector<1x16384xi32>
    %lt3A_15 = arith.cmpi slt, %rem3A_13, %lt3A_14 : vector<1x16384xi32>
    %jit3A = arith.constant 5.000000e-01 : f32
    %jit3A_16 = arith.constant 1.000000e+00 : f32
    %broadcast_in_dim3A = vector.broadcast %jit3A : f32 to vector<1x16384xf32>
    %broadcast_in_dim3A_17 = vector.broadcast %jit3A_16 : f32 to vector<1x16384xf32>
    %select_n3A = arith.select %lt3A_15, %broadcast_in_dim3A, %broadcast_in_dim3A_17 : vector<1x16384xi1>, vector<1x16384xf32>
    %get3A_18 = arith.constant 0 : index
    %get3A_19 = arith.constant 0 : index
    %get3A_20 = vector.load %arg0[%get3A_18, %get3A_19] : memref<256x16384xf32, #tpu.memory_space<vmem>>, vector<128x16384xf32>
    %dot_general3A_21 = arith.constant dense<0.000000e+00> : vector<128x16384xf32>
    %dot_general3A_22 = tpu.matmul %get3A_1, %get3A_20, %dot_general3A_21 {dimension_numbers = #tpu.dot_dimension_numbers<[1], [0], [0], [1], [0, 0, 1, 1], [], []>, transpose_lhs_hint = false} : vector<128x128xf32>, vector<128x16384xf32>, vector<128x16384xf32> -> vector<128x16384xf32>
    %add3A = vector.broadcast %dot_general3A_9 : vector<1x16384xf32> to vector<128x16384xf32>
    %add3A_23 = arith.addf %dot_general3A_22, %add3A : vector<128x16384xf32>
    %mul3A = vector.broadcast %select_n3A : vector<1x16384xf32> to vector<128x16384xf32>
    %mul3A_24 = arith.mulf %add3A_23, %mul3A : vector<128x16384xf32>
    %tanh3A = math.tanh %mul3A_24 : vector<128x16384xf32>
    %slice3A = vector.extract_strided_slice %tanh3A {offsets = [0, 64], sizes = [128, 16320], strides = [1, 1]} : vector<128x16384xf32> to vector<128x16320xf32>
    %slice3A_25 = vector.extract_strided_slice %tanh3A {offsets = [0, 0], sizes = [128, 64], strides = [1, 1]} : vector<128x16384xf32> to vector<128x64xf32>
    %concatenate3A = tpu.concatenate %slice3A, %slice3A_25 in 1 : vector<128x16320xf32>, vector<128x64xf32> -> vector<128x16384xf32>
    %mul3A_26 = arith.constant 5.000000e-01 : f32
    %mul3A_27 = vector.broadcast %mul3A_26 : f32 to vector<128x16384xf32>
    %mul3A_28 = arith.mulf %mul3A_27, %tanh3A : vector<128x16384xf32>
    %sub3A = arith.constant 5.000000e-01 : f32
    %sub3A_29 = vector.broadcast %sub3A : f32 to vector<128x16384xf32>
    %sub3A_30 = arith.subf %sub3A_29, %mul3A_28 : vector<128x16384xf32>
    %mul3A_31 = arith.mulf %sub3A_30, %concatenate3A : vector<128x16384xf32>
    %reduce_sum3A = arith.constant dense<0.000000e+00> : vector<16384xf32>
    %reduce_sum3A_32 = vector.multi_reduction <add>, %mul3A_31, %reduce_sum3A [0] : vector<128x16384xf32> to vector<16384xf32>
    %broadcast_in_dim3A_33 = vector.shape_cast %reduce_sum3A_32 : vector<16384xf32> to vector<1x16384xf32>
    %get3A_34 = arith.constant 128 : index
    %get3A_35 = arith.constant 0 : index
    %get3A_36 = vector.load %arg0[%get3A_34, %get3A_35] : memref<256x16384xf32, #tpu.memory_space<vmem>>, vector<128x16384xf32>
    %dot_general3A_37 = arith.constant dense<0.000000e+00> : vector<128x16384xf32>
    %dot_general3A_38 = tpu.matmul %get3A_1, %get3A_36, %dot_general3A_37 {dimension_numbers = #tpu.dot_dimension_numbers<[1], [0], [0], [1], [0, 0, 1, 1], [], []>, transpose_lhs_hint = false} : vector<128x128xf32>, vector<128x16384xf32>, vector<128x16384xf32> -> vector<128x16384xf32>
    %add3A_39 = vector.broadcast %dot_general3A_9 : vector<1x16384xf32> to vector<128x16384xf32>
    %add3A_40 = arith.addf %dot_general3A_38, %add3A_39 : vector<128x16384xf32>
    %mul3A_41 = vector.broadcast %select_n3A : vector<1x16384xf32> to vector<128x16384xf32>
    %mul3A_42 = arith.mulf %add3A_40, %mul3A_41 : vector<128x16384xf32>
    %tanh3A_43 = math.tanh %mul3A_42 : vector<128x16384xf32>
    %slice3A_44 = vector.extract_strided_slice %tanh3A_43 {offsets = [0, 64], sizes = [128, 16320], strides = [1, 1]} : vector<128x16384xf32> to vector<128x16320xf32>
    %slice3A_45 = vector.extract_strided_slice %tanh3A_43 {offsets = [0, 0], sizes = [128, 64], strides = [1, 1]} : vector<128x16384xf32> to vector<128x64xf32>
    %concatenate3A_46 = tpu.concatenate %slice3A_44, %slice3A_45 in 1 : vector<128x16320xf32>, vector<128x64xf32> -> vector<128x16384xf32>
    %mul3A_47 = arith.constant 5.000000e-01 : f32
    %mul3A_48 = vector.broadcast %mul3A_47 : f32 to vector<128x16384xf32>
    %mul3A_49 = arith.mulf %mul3A_48, %tanh3A_43 : vector<128x16384xf32>
    %sub3A_50 = arith.constant 5.000000e-01 : f32
    %sub3A_51 = vector.broadcast %sub3A_50 : f32 to vector<128x16384xf32>
    %sub3A_52 = arith.subf %sub3A_51, %mul3A_49 : vector<128x16384xf32>
    %mul3A_53 = arith.mulf %sub3A_52, %concatenate3A_46 : vector<128x16384xf32>
    %reduce_sum3A_54 = arith.constant dense<0.000000e+00> : vector<16384xf32>
    %reduce_sum3A_55 = vector.multi_reduction <add>, %mul3A_53, %reduce_sum3A_54 [0] : vector<128x16384xf32> to vector<16384xf32>
    %broadcast_in_dim3A_56 = vector.shape_cast %reduce_sum3A_55 : vector<16384xf32> to vector<1x16384xf32>
    %iota3A_57 = tpu.iota {dimensions = array<i32: 1>} : vector<128x16384xi32>
    %jit3A_58 = arith.constant 128 : i32
    %div3A = vector.broadcast %jit3A_58 : i32 to vector<128x16384xi32>
    %div3A_59 = arith.divsi %iota3A_57, %div3A : vector<128x16384xi32>
    %sign3A = arith.constant 0 : i32
    %sign3A_60 = vector.broadcast %sign3A : i32 to vector<128x16384xi32>
    %sign3A_61 = arith.cmpi sgt, %iota3A_57, %sign3A_60 : vector<128x16384xi32>
    %sign3A_62 = arith.extui %sign3A_61 : vector<128x16384xi1> to vector<128x16384xi32>
    %sign3A_63 = arith.constant 0 : i32
    %sign3A_64 = vector.broadcast %sign3A_63 : i32 to vector<128x16384xi32>
    %sign3A_65 = arith.cmpi slt, %iota3A_57, %sign3A_64 : vector<128x16384xi32>
    %sign3A_66 = arith.extui %sign3A_65 : vector<128x16384xi1> to vector<128x16384xi32>
    %sign3A_67 = arith.subi %sign3A_62, %sign3A_66 : vector<128x16384xi32>
    %sign3A_68 = arith.constant 0 : i32
    %sign3A_69 = arith.cmpi sgt, %jit3A_58, %sign3A_68 : i32
    %sign3A_70 = arith.extui %sign3A_69 : i1 to i32
    %sign3A_71 = arith.constant 0 : i32
    %sign3A_72 = arith.cmpi slt, %jit3A_58, %sign3A_71 : i32
    %sign3A_73 = arith.extui %sign3A_72 : i1 to i32
    %sign3A_74 = arith.subi %sign3A_70, %sign3A_73 : i32
    %ne3A = vector.broadcast %sign3A_74 : i32 to vector<128x16384xi32>
    %ne3A_75 = arith.cmpi ne, %sign3A_67, %ne3A : vector<128x16384xi32>
    %rem3A_76 = vector.broadcast %jit3A_58 : i32 to vector<128x16384xi32>
    %rem3A_77 = arith.remsi %iota3A_57, %rem3A_76 : vector<128x16384xi32>
    %ne3A_78 = arith.constant 0 : i32
    %ne3A_79 = vector.broadcast %ne3A_78 : i32 to vector<128x16384xi32>
    %ne3A_80 = arith.cmpi ne, %rem3A_77, %ne3A_79 : vector<128x16384xi32>
    %and3A = arith.andi %ne3A_75, %ne3A_80 : vector<128x16384xi1>
    %sub3A_81 = arith.constant 1 : i32
    %sub3A_82 = vector.broadcast %sub3A_81 : i32 to vector<128x16384xi32>
    %sub3A_83 = arith.subi %div3A_59, %sub3A_82 : vector<128x16384xi32>
    %select_n3A_84 = arith.select %and3A, %sub3A_83, %div3A_59 : vector<128x16384xi1>, vector<128x16384xi32>
    %iota3A_85 = tpu.iota {dimensions = array<i32: 0>} : vector<128x16384xi32>
    %eq3A_86 = arith.cmpi eq, %select_n3A_84, %iota3A_85 : vector<128x16384xi32>
    %convert_element_type3A_87 = arith.extui %eq3A_86 : vector<128x16384xi1> to vector<128x16384xi32>
    %convert_element_type3A_88 = arith.sitofp %convert_element_type3A_87 : vector<128x16384xi32> to vector<128x16384xf32>
    %iota3A_89 = tpu.iota {dimensions = array<i32: 0>} : vector<16384x64xi32>
    %rem3A_90 = arith.constant 128 : i32
    %rem3A_91 = vector.broadcast %rem3A_90 : i32 to vector<16384x64xi32>
    %rem3A_92 = arith.remsi %iota3A_89, %rem3A_91 : vector<16384x64xi32>
    %iota3A_93 = tpu.iota {dimensions = array<i32: 1>} : vector<16384x64xi32>
    %eq3A_94 = arith.cmpi eq, %rem3A_92, %iota3A_93 : vector<16384x64xi32>
    %convert_element_type3A_95 = arith.extui %eq3A_94 : vector<16384x64xi1> to vector<16384x64xi32>
    %convert_element_type3A_96 = arith.sitofp %convert_element_type3A_95 : vector<16384x64xi32> to vector<16384x64xf32>
    %mul3A_97 = vector.broadcast %broadcast_in_dim3A_33 : vector<1x16384xf32> to vector<128x16384xf32>
    %mul3A_98 = arith.mulf %convert_element_type3A_88, %mul3A_97 : vector<128x16384xf32>
    %dot_general3A_99 = arith.constant dense<0.000000e+00> : vector<128x64xf32>
    %dot_general3A_100 = tpu.matmul %mul3A_98, %convert_element_type3A_96, %dot_general3A_99 {dimension_numbers = #tpu.dot_dimension_numbers<[1], [0], [0], [1], [0, 0, 1, 1], [], []>, transpose_lhs_hint = false} : vector<128x16384xf32>, vector<16384x64xf32>, vector<128x64xf32> -> vector<128x64xf32>
    %mul3A_101 = vector.broadcast %broadcast_in_dim3A_56 : vector<1x16384xf32> to vector<128x16384xf32>
    %mul3A_102 = arith.mulf %convert_element_type3A_88, %mul3A_101 : vector<128x16384xf32>
    %dot_general3A_103 = arith.constant dense<0.000000e+00> : vector<128x64xf32>
    %dot_general3A_104 = tpu.matmul %mul3A_102, %convert_element_type3A_96, %dot_general3A_103 {dimension_numbers = #tpu.dot_dimension_numbers<[1], [0], [0], [1], [0, 0, 1, 1], [], []>, transpose_lhs_hint = false} : vector<128x16384xf32>, vector<16384x64xf32>, vector<128x64xf32> -> vector<128x64xf32>
    %get3A_105 = arith.constant 0 : index
    %get3A_106 = arith.constant 0 : index
    %get3A_107 = vector.load %arg3[%get3A_105, %get3A_106] : memref<1x37xf32, #tpu.memory_space<vmem>>, vector<1x37xf32>
    %reduce_max3A = arith.constant dense<0xFF800000> : vector<1xf32>
    %reduce_max3A_108 = vector.multi_reduction <maximumf>, %get3A_107, %reduce_max3A [1] : vector<1x37xf32> to vector<1xf32>
    %broadcast_in_dim3A_109 = vector.shape_cast %reduce_max3A_108 : vector<1xf32> to vector<1x1xf32>
    %sub3A_110 = vector.broadcast %broadcast_in_dim3A_109 : vector<1x1xf32> to vector<1x37xf32>
    %sub3A_111 = arith.subf %get3A_107, %sub3A_110 : vector<1x37xf32>
    %exp3A = math.exp %sub3A_111 : vector<1x37xf32>
    %reduce_sum3A_112 = arith.constant dense<0.000000e+00> : vector<1xf32>
    %reduce_sum3A_113 = vector.multi_reduction <add>, %exp3A, %reduce_sum3A_112 [1] : vector<1x37xf32> to vector<1xf32>
    %broadcast_in_dim3A_114 = vector.shape_cast %reduce_sum3A_113 : vector<1xf32> to vector<1x1xf32>
    %div3A_115 = vector.broadcast %broadcast_in_dim3A_114 : vector<1x1xf32> to vector<1x37xf32>
    %div3A_116 = arith.divf %exp3A, %div3A_115 : vector<1x37xf32>
    %iota3A_117 = tpu.iota {dimensions = array<i32: 1>} : vector<128x37xi32>
    %get3A_118 = arith.constant 0 : index
    %get3A_119 = arith.constant 0 : index
    %get3A_120 = vector.load %arg4[%get3A_118, %get3A_119] : memref<128x1xi32, #tpu.memory_space<vmem>>, vector<128x1xi32>
    %lt3A_121 = vector.broadcast %get3A_120 : vector<128x1xi32> to vector<128x37xi32>
    %lt3A_122 = arith.cmpi slt, %iota3A_117, %lt3A_121 : vector<128x37xi32>
    %convert_element_type3A_123 = arith.extui %lt3A_122 : vector<128x37xi1> to vector<128x37xi32>
    %convert_element_type3A_124 = arith.sitofp %convert_element_type3A_123 : vector<128x37xi32> to vector<128x37xf32>
    %mul3A_125 = vector.broadcast %div3A_116 : vector<1x37xf32> to vector<128x37xf32>
    %mul3A_126 = arith.mulf %convert_element_type3A_124, %mul3A_125 : vector<128x37xf32>
    %reduce_sum3A_127 = arith.constant dense<0.000000e+00> : vector<128xf32>
    %reduce_sum3A_128 = vector.multi_reduction <add>, %mul3A_126, %reduce_sum3A_127 [1] : vector<128x37xf32> to vector<128xf32>
    %broadcast_in_dim3A_129 = vector.shape_cast %reduce_sum3A_128 : vector<128xf32> to vector<128x1xf32>
    %mul3A_130 = vector.broadcast %broadcast_in_dim3A_129 : vector<128x1xf32> to vector<128x64xf32>
    %mul3A_131 = arith.mulf %mul3A_130, %dot_general3A_100 : vector<128x64xf32>
    %sub3A_132 = arith.constant 1.000000e+00 : f32
    %sub3A_133 = vector.broadcast %sub3A_132 : f32 to vector<128x1xf32>
    %sub3A_134 = arith.subf %sub3A_133, %broadcast_in_dim3A_129 : vector<128x1xf32>
    %mul3A_135 = vector.broadcast %sub3A_134 : vector<128x1xf32> to vector<128x64xf32>
    %mul3A_136 = arith.mulf %mul3A_135, %dot_general3A_104 : vector<128x64xf32>
    %add3A_137 = arith.addf %mul3A_131, %mul3A_136 : vector<128x64xf32>
    %mul3A_138 = arith.constant 7.812500e-03 : f32
    %mul3A_139 = vector.broadcast %mul3A_138 : f32 to vector<128x64xf32>
    %mul3A_140 = arith.mulf %add3A_137, %mul3A_139 : vector<128x64xf32>
    %get3A_141 = arith.constant 0 : index
    %get3A_142 = arith.constant 0 : index
    %get3A_143 = vector.load %arg5[%get3A_141, %get3A_142] : memref<64x128xf32, #tpu.memory_space<vmem>>, vector<64x128xf32>
    %dot_general3A_144 = arith.constant dense<0.000000e+00> : vector<128x128xf32>
    %dot_general3A_145 = tpu.matmul %mul3A_140, %get3A_143, %dot_general3A_144 {dimension_numbers = #tpu.dot_dimension_numbers<[1], [0], [0], [1], [0, 0, 1, 1], [], []>, transpose_lhs_hint = false} : vector<128x64xf32>, vector<64x128xf32>, vector<128x128xf32> -> vector<128x128xf32>
    %get3A_146 = arith.constant 0 : index
    %get3A_147 = arith.constant 0 : index
    %get3A_148 = vector.load %arg6[%get3A_146, %get3A_147] : memref<1x128xf32, #tpu.memory_space<vmem>>, vector<1x128xf32>
    %add3A_149 = vector.broadcast %get3A_148 : vector<1x128xf32> to vector<128x128xf32>
    %add3A_150 = arith.addf %dot_general3A_145, %add3A_149 : vector<128x128xf32>
    %max3A = arith.constant 0.000000e+00 : f32
    %max3A_151 = vector.broadcast %max3A : f32 to vector<128x128xf32>
    %max3A_152 = arith.maximumf %add3A_150, %max3A_151 : vector<128x128xf32>
    %get3A_153 = arith.constant 0 : index
    %get3A_154 = arith.constant 0 : index
    %get3A_155 = vector.load %arg7[%get3A_153, %get3A_154] : memref<128x2xf32, #tpu.memory_space<vmem>>, vector<128x2xf32>
    %dot_general3A_156 = arith.constant dense<0.000000e+00> : vector<128x2xf32>
    %dot_general3A_157 = tpu.matmul %max3A_152, %get3A_155, %dot_general3A_156 {dimension_numbers = #tpu.dot_dimension_numbers<[1], [0], [0], [1], [0, 0, 1, 1], [], []>, transpose_lhs_hint = false} : vector<128x128xf32>, vector<128x2xf32>, vector<128x2xf32> -> vector<128x2xf32>
    %get3A_158 = arith.constant 0 : index
    %get3A_159 = arith.constant 0 : index
    %get3A_160 = vector.load %arg8[%get3A_158, %get3A_159] : memref<1x2xf32, #tpu.memory_space<vmem>>, vector<1x2xf32>
    %add3A_161 = vector.broadcast %get3A_160 : vector<1x2xf32> to vector<128x2xf32>
    %add3A_162 = arith.addf %dot_general3A_157, %add3A_161 : vector<128x2xf32>
    %swap3A = arith.constant 0 : index
    %swap3A_163 = arith.constant 0 : index
    %swap3A_164 = vector.load %arg9[%swap3A, %swap3A_163] : memref<128x2xf32, #tpu.memory_space<vmem>>, vector<128x2xf32>
    tpu.vector_store %arg9[%swap3A, %swap3A_163], %add3A_162 {strides = array<i32>} : memref<128x2xf32, #tpu.memory_space<vmem>>, vector<128x2xf32>,
    return
  }
}

</mosaic_0001>

<sc_bundles>
// kernel: kernel.5.cloned.1.call-start
scs
__scs_entry_jumppad:
0x0: {  	(pc) =	sbr.rel $0x88, $3  }
0x1: {  	(tag) =	ssettag $0x0;
	lr =	simm.s32 $0x1  }
0x2: {  	[smem:$0x3F8E] =	sst lr;
	_ =	strace $0xD0000000  }
0x3: {  	_ = 	snop  }
0x4: {  	_ = 	snop  }
0x5: {  	_ = 	snop  }
0x6: {  	_ = 	snop  }
0x7: {  	_ = 	snop  }
__scs_overlays_trampoline_lowered:
0x8: {  	[smem:$0x3F9D] =	sst s0  }
0x9: {  	[smem:$0x3F9E] =	sst s1  }
0xa: {  	[smem:$0x3F9F] =	sst s2  }
0xb: {  	[smem:$0x3FA0] =	sst s3  }
0xc: {  	[smem:$0x3FA1] =	sst s4  }
0xd: {  	[smem:$0x3FA2] =	sst s5  }
0xe: {  	[smem:$0x3FA3] =	sst s6  }
0xf: {  	[smem:$0x3FA4] =	sst s7  }
0x10: {  	[smem:$0x3FA5] =	sst s8  }
0x11: {  	[smem:$0x3FA6] =	sst s9;
	s0 =	simm.s32 @!p0 $0x0  }
0x12: {  	s1 =	sld [smem:$0x3F8C];
	s0 =	simm.s32 @p0 $0x1  }
0x13: {  	[smem:$0x3FA7] =	sst s0;
	s0 =	simm.s32 @!p1 $0x0  }
0x14: {  	s2 =	sld [smem:$0x3F8B];
	s0 =	simm.s32 @p1 $0x1  }
0x15: {  	[smem:$0x3FA8] =	sst s0;
	s0 =	simm.s32 @!p2 $0x0  }
0x16: {  	s3 =	sld [smem:$0x3FDB];
	s0 =	simm.s32 @p2 $0x1  }
0x17: {  	s4 =	simm.s32 $0x1BF5;
	[smem:$0x3FAA] =	sst s0  }
0x18: {  	s0 =	sld [smem:$0x3F8D];
	_ =	swait.ge [sflag:s4], $0x0  }
0x19: {  	s7 =	sld [smem:$0x3F8E]  }
0x1a: {  	s8 =	sadd.s32 $0xFFFFE003, lr  }
0x1b: {  	s9 =	sadd.s32 $0xFFFFFEF7, lr;
	s5 =	simm.s32 $0xFFFFFFFF;
	p2 =	slt.u32 s8, $0xFFFFF086  }
0x1c: {  	p1 =	slt.u32 s9, $0xF7A;
	s5 =	simm.s32 @!p2 $0x0  }
0x1d: {  	s5 =	simm.s32 @p1 $0x1;
	p0 =	seq.s32 s7, s2  }
0x1e: {  	s7 =	smul.u32 @!p0 $0xF7A, s2;
	p2 =	seq.s32 @!p0 s5, $0x0  }
0x1f: {  	s9 =	smul.u32 $0xF7A, s1;
	s8 =	simm.s32 @!p0 $0x1BF5;
	p2 =	por !p2, p0  }
0x20: {  	[sflag:s8] =	ssyncset.s32 @!p0 $0xFFFFF086;
	s6 =	sadd.s32 @!p0 s3, s7;
	s7 =	simm.s32 @!p0 $0x108  }
0x21: {  	s3 =	sadd.s32 s3, s9;
	s6 =	sadd.s32 @!p0 $0x88, s6;
	s7 =	simm.s32 @p2 $0x1082  }
0x22: {  	[simem:s7], [sflag:s8] =	dma.local @!p0 [hbm:s6], $0xF7A  }
0x23: {  	s9 =	sor.u32 $0xD0000000, s2;
	s6 =	simm.s32 $0x108;
	_ =	swait.ge @!p0 [sflag:s8], $0x0  }
0x24: {  	s3 =	sadd.s32 $0x88, s3;
	s6 =	simm.s32 @!p1 $0x1082;
	[sflag:s4] =	ssyncset.s32 $0xFFFFF086  }
0x25: {  	[simem:s6], [sflag:s4] =	dma.local [hbm:s3], $0xF7A  }
0x26: {  	[smem:$0x3F8E] =	sst s1;
	(tag) =	ssettag s2;
	_ =	strace s9  }
0x27: {  	s1 =	sld [smem:$0x3F9E]  }
0x28: {  	s2 =	sld [smem:$0x3F9F]  }
0x29: {  	s4 =	sld [smem:$0x3FA1]  }
0x2a: {  	p0 =	seq.s32 s5, $0x0;
	s5 =	sld [smem:$0x3FA2]  }
0x2b: {  	s6 =	sld [smem:$0x3FA3]  }
0x2c: {  	s7 =	sld [smem:$0x3FA4]  }
0x2d: {  	s3 =	simm.s32 $0x108;
	s8 =	sld [smem:$0x3FA5]  }
0x2e: {  	s3 =	simm.s32 @!p0 $0x1082;
	s9 =	sld [smem:$0x3FA6]  }
0x2f: {  	lr =	sadd.s32 s0, s3;
	s0 =	sld [smem:$0x3F9D]  }
0x30: {  	s3 =	sld [smem:$0x3FA0]  }
0x31: {  	[smem:$0x3FA9] =	sst s10  }
0x32: {  	s10 =	sld [smem:$0x3FA7];
	_ =	sdelay $0x3  }
0x33: {  	p0 =	seq.s32 s10, $0x1;
	s10 =	sld [smem:$0x3FA9];
	_ =	sdelay $0x3  }
0x34: {  	[smem:$0x3FA9] =	sst s10  }
0x35: {  	s10 =	sld [smem:$0x3FA8];
	_ =	sdelay $0x3  }
0x36: {  	p1 =	seq.s32 s10, $0x1;
	s10 =	sld [smem:$0x3FA9];
	_ =	sdelay $0x3  }
0x37: {  	[smem:$0x3FA9] =	sst s10  }
0x38: {  	s10 =	sld [smem:$0x3FAA]  }
0x39: {  	_ = 	snop;
	(pc) =	sbr.ind lr, $3  }
0x3a: {  	_ = 	snop  }
0x3b: {  	_ = 	snop  }
0x3c: {  	p2 =	seq.s32 s10, $0x1;
	s10 =	sld [smem:$0x3FA9]  }
0x3d: {  	_ =	shalt  }
0x3e: {  	_ =	shalt  }
0x3f: {  	_ =	shalt  }
0x40: {  	_ =	shalt  }
0x41: {  	_ =	shalt  }
0x42: {  	_ =	shalt  }
0x43: {  	_ =	shalt  }
0x44: {  	_ =	shalt  }
0x45: {  	_ =	shalt  }
0x46: {  	_ =	shalt  }
0x47: {  	_ =	shalt  }
0x48: {  	_ =	shalt  }
0x49: {  	_ =	shalt  }
0x4a: {  	_ =	shalt  }
0x4b: {  	_ =	shalt  }
0x4c: {  	_ =	shalt  }
0x4d: {  	_ =	shalt  }
0x4e: {  	_ =	shalt  }
0x4f: {  	_ =	shalt  }
0x50: {  	_ =	shalt  }
0x51: {  	_ =	shalt  }
0x52: {  	_ =	shalt  }
0x53: {  	_ =	shalt  }
0x54: {  	_ =	shalt  }
0x55: {  	_ =	shalt  }
0x56: {  	_ =	shalt  }
0x57: {  	_ =	shalt  }
0x58: {  	_ =	shalt  }
0x59: {  	_ =	shalt  }
0x5a: {  	_ =	shalt  }
0x5b: {  	_ =	shalt  }
0x5c: {  	_ =	shalt  }
0x5d: {  	_ =	shalt  }
0x5e: {  	_ =	shalt  }
0x5f: {  	_ =	shalt  }
0x60: {  	_ =	shalt  }
0x61: {  	_ =	shalt  }
0x62: {  	_ =	shalt  }
0x63: {  	_ =	shalt  }
0x64: {  	_ =	shalt  }
0x65: {  	_ =	shalt  }
0x66: {  	_ =	shalt  }
0x67: {  	_ =	shalt  }
0x68: {  	_ =	shalt  }
0x69: {  	_ =	shalt  }
0x6a: {  	_ =	shalt  }
0x6b: {  	_ =	shalt  }
0x6c: {  	_ =	shalt  }
0x6d: {  	_ =	shalt  }
0x6e: {  	_ =	shalt  }
0x6f: {  	_ =	shalt  }
0x70: {  	_ =	shalt  }
0x71: {  	_ =	shalt  }
0x72: {  	_ =	shalt  }
0x73: {  	_ =	shalt  }
0x74: {  	_ =	shalt  }
0x75: {  	_ =	shalt  }
0x76: {  	_ =	shalt  }
0x77: {  	_ =	shalt  }
0x78: {  	_ =	shalt  }
0x79: {  	_ =	shalt  }
0x7a: {  	_ =	shalt  }
0x7b: {  	_ =	shalt  }
0x7c: {  	_ =	shalt  }
0x7d: {  	_ =	shalt  }
0x7e: {  	_ =	shalt  }
0x7f: {  	_ =	shalt  }
0x80: {  	_ =	shalt  }
0x81: {  	_ =	shalt  }
0x82: {  	_ =	shalt  }
0x83: {  	_ =	shalt  }
0x84: {  	_ =	shalt  }
0x85: {  	_ =	shalt  }
0x86: {  	_ =	shalt  }
0x87: {  	_ =	shalt  }
.Lfunc_end0:
.L_simem_size_0:
called_computation_lowered:
.L_overlay_start_0:
0x88: {  	s2 =	sld [smem:$0x3FD9]  }
0x89: {  	s3 =	sld [smem:$0x3FFE];
	_ =	sdelay $0x1  }
0x8a: {  	s1 =	srdreg.scid  }
0x8b: {  	s0 =	sand.u32 $0x1, s1  }
0x8c: {  	s17 =	sshll.u32 s0, $0xA;
	s2 =	sadd.s32 s3, s2  }
0x8d: {  	s2 =	sadd.s32 s2, s17  }
0x8e: {  	[smem:$0x3FB5] =	sst s2  }
0x8f: {  	_ = 	snop  }
0x90: {  	s2 =	sld [smem:$0x3FD0];
	(tm) =	ssettm $0x1  }
0x91: {  	s18 =	sld [smem:$0x3FFB];
	_ =	sdelay $0x3  }
0x92: {  	_ =	strace s18  }
0x93: {  	s3 =	sld [smem:$0x3FFC];
	_ =	sdelay $0x3  }
0x94: {  	_ =	strace s3  }
0x95: {  	s3 =	sld [smem:$0x3FFD];
	_ =	sdelay $0x3  }
0x96: {  	_ =	strace s3  }
0x97: {  	_ =	strace $0x8FFFFFFF  }
0x98: {  	s19 =	sld [smem:$0x3FDB];
	_ =	sdelay $0x1  }
0x99: {  	s4 =	simm.s32 $_scs_section_size  }
0x9a: {  	s5 =	simm.s32 $_size__tile_overlayer_lowered;
	s6 =	simm.s32 $_tile_overlayer_lowered  }
0x9b: {  	s22 =	simm.s32 $0x1BFF;
	s21 =	sshll.u32 s6, $0x1;
	s3 =	sadd.s32 s4, s19  }
0x9c: {  	s7 =	simm.s32 $0x0;
	s20 =	sshll.u32 s5, $0x1;
	s5 =	sadd.s32 s21, s3  }
0x9d: {  	[timem:s7], [sflag:s22] =	dma.local [hbm:s5], s20  }
0x9e: {  	_ =	swait.ge [sflag:s22], s20  }
0x9f: {  	s4 =	ssub.s32 $0x0, s20;
	[sflag:s22] =	ssyncset.done $0x0  }
0xa0: {  	[sflag:s22] =	ssyncadd.s32 s4;
	_ =	sdelay $0x1  }
0xa1: {  	s23 =	simm.s32 $0x1B8B  }
0xa2: {  	_ =	swait.ge [sflag:s23], $0x1  }
0xa3: {  	[sflag:s23] =	ssyncset.done $0x0  }
0xa4: {  	s25 =	simm.s32 $0x1B8E;
	s24 =	sld [smem:$0x3FFE];
	[sflag:s23] =	ssyncadd.s32 $0xFFFFFFFF  }
0xa5: {  	s26 =	simm.s32 $execute0_lowered;
	[smem:$0x3FD2] =	sst s25  }
0xa6: {  	s5 =	sshll.u32 s26, $0x1;
	_ =	strace $0x80000046;
	[dreg:$0x1] =	wrdreg $0xFFFFFFFF  }
0xa7: {  	s28 =	simm.s32 $_size_execute0_lowered;
	s3 =	sadd.s32 s3, s5;
	[dreg:$0x0] =	wrdreg $0x0  }
0xa8: {  	s5 =	sshll.u32 s28, $0x1;
	[dreg:$0x2] =	wrdreg s3  }
0xa9: {  	[dreg:$0x3] =	wrdreg s5  }
0xaa: {  	[dreg:$0x4] =	wrdreg $0xC0  }
0xab: {  	_ =	task [dreg:s7], $0x5FFFF  }
0xac: {  	[dreg:$0x1] =	wrdreg $0xFFFFFFFF  }
0xad: {  	[dreg:$0x0] =	wrdreg $0x60  }
0xae: {  	[dreg:$0x2] =	wrdreg s2  }
0xaf: {  	[dreg:$0x3] =	wrdreg s24  }
0xb0: {  	[dreg:$0x4] =	wrdreg $0x9  }
0xb1: {  	_ =	task.clear_ibuf [dreg:s7], $0x5FFFF;
	_ =	strace $0x90000046  }
0xb2: {  	s29 =	simm.s32 $0x9;
	_ =	strace $0x80000048  }
0xb3: {  	_ =	swait.ge [sflag:s29], $0x1  }
0xb4: {  	[sflag:s29] =	ssyncadd.s32 $0xFFFFFFFF  }
0xb5: {  	_ =	strace $0x90000048  }
0xb6: {  	_ =	sfence  }
0xb7: {  	s30 =	sld [smem:$0x0];
	_ =	sdelay $0x2  }
0xb8: {  	s31 =	sshll.u32 s1, $0xD;
	s1 =	sshrl.u32 s1, $0x2  }
0xb9: {  	s3 =	sand.u32 $0x4000, s31;
	s1 =	sadd.s32 s1, s30  }
0xba: {  	s0 =	sor.u32 s3, s0;
	s1 =	sshll.u32 s1, $0x11  }
0xbb: {  	s0 =	sor.u32 s1, s0  }
0xbc: {  	s0 =	sadd.s32 $0x8F2B, s0  }
0xbd: {  	[sflag:s0] =	ssyncadd.remote.s32 $0x1  }
0xbe: {  	_ =	sfence.sel $0xFFFF  }
0xbf: {  	[dreg:$0x0] =	wrdreg $0xFFFFFFFF;
	(pc) =	sbr.abs _section_cstart, $3  }
0xc0: {  	[dreg:$0x1] =	wrdreg $0xFFFFFFFF  }
0xc1: {  	_ =	task.clear_ibuf [dreg:s7], $0x2FFFF;
	_ =	strace $0x9FFFFFFF  }
0xc2: {  	(tm) =	ssettm $0x7FFFFFFF  }
0xc3: {  	_ =	shalt  }
tec
execute0_lowered:
.L_overlay_start_1:
0x0: {  	(tag) =	ssettag $0x1  }
0x1: {  	s3 =	rddreg [dreg:$0x0]  }
0x2: {  	s17 =	rddreg [dreg:$0x1]  }
0x3: {  	s0 =	rddreg [dreg:$0x2]  }
0x4: {  	s4 =	srdreg.scid;
	s1 =	stileid.u32  }
0x5: {  	s2 =	simm.s32 $0x0;
	s22 =	sand.u32 $0x1, s4;
	s30 =	sshll.u32 s1, $0x1  }
0x6: {  	[smem:$0x7FF] =	sst s2;
	s18 =	sor.u32 s22, s30  }
0x7: {  	_ =	strace $0x80000047;
	s4 =	sadd.s32 s3, s18;
	s3 =	simm.s32 $0x2  }
0x8: {  	[tilespmem:s2], [sflag:$0x2] =	stream.linear.gather [hbm4b:s4+s2], $0x8, $0x38;
	[tilespmem:$0x10408] =	vst v63  }
0x9: {  	_ =	swait.ge [sflag:s3], $0x8  }
0xa: {  	s6 =	simm.s32 $0x8;
	[sflag:s3] =	ssyncset.done $0x0  }
0xb: {  	s7 =	simm.s32 $0x1;
	s5 =	sadd.s32 $0x66E00, s17;
	[sflag:s3] =	ssyncadd.s32 $0xFFFFFFF8  }
0xc: {  	[tilespmem:s6], [sflag:$0x1] =	stream.indirect.gather [hbm4b:s5+s6], $0x80, s2, s6, $0xb8;
	[tilespmem:$0x10408] =	vst v63  }
0xd: {  	_ =	swait.ge [sflag:s7], $0x400  }
0xe: {  	s9 =	simm.s32 $0x80;
	[sflag:s7] =	ssyncset.done $0x0  }
0xf: {  	s10 =	simm.s32 $0x408;
	s8 =	sadd.s32 $0x2E00, s17;
	[sflag:s7] =	ssyncadd.s32 $0xFFFFFC00  }
0x10: {  	[tilespmem:s10], [sflag:$0x1] =	stream.indirect.gather [hbm4b:s8+s9], $0x80, s6, s9, $0xb8;
	[tilespmem:$0x10408] =	vst v63  }
0x11: {  	s11 =	simm.s32 $0x88;
	s12 =	simm.s32 $0x4408  }
0x12: {  	[tilespmem:s12], [sflag:$0x1] =	stream.indirect.gather [hbm4b:s8+s9], $0x80, s11, s9, $0xb8;
	[tilespmem:$0x10408] =	vst v63  }
0x13: {  	s13 =	simm.s32 $0x108;
	s14 =	simm.s32 $0x8408  }
0x14: {  	[tilespmem:s14], [sflag:$0x1] =	stream.indirect.gather [hbm4b:s8+s9], $0x80, s13, s9, $0xb8;
	[tilespmem:$0x10408] =	vst v63  }
0x15: {  	s15 =	simm.s32 $0x188;
	s16 =	simm.s32 $0xC408  }
0x16: {  	[tilespmem:s16], [sflag:$0x1] =	stream.indirect.gather [hbm4b:s8+s9], $0x80, s15, s9, $0xb8;
	[tilespmem:$0x10408] =	vst v63  }
0x17: {  	_ =	swait.ge [sflag:s7], $0x4000  }
0x18: {  	[sflag:s7] =	ssyncset.done $0x0  }
0x19: {  	[sflag:s7] =	ssyncadd.s32 $0xFFFFC000  }
0x1a: {  	_ =	swait.ge [sflag:s7], $0x4000  }
0x1b: {  	[sflag:s7] =	ssyncset.done $0x0  }
0x1c: {  	[sflag:s7] =	ssyncadd.s32 $0xFFFFC000  }
0x1d: {  	_ =	swait.ge [sflag:s7], $0x4000  }
0x1e: {  	[sflag:s7] =	ssyncset.done $0x0  }
0x1f: {  	[sflag:s7] =	ssyncadd.s32 $0xFFFFC000  }
0x20: {  	s18 =	sshll.u32 s18, $0xE;
	_ =	swait.ge [sflag:s7], $0x4000  }
0x21: {  	s23 =	sadd.s32 s18, s17;
	[sflag:s7] =	ssyncset.done $0x0  }
0x22: {  	s17 =	sadd.s32 $0x67E00, s23;
	[sflag:s7] =	ssyncadd.s32 $0xFFFFC000  }
0x23: {  	[hbm4b:s17+s2] =	stream.linear.scatter [tilespmem:s10], [sflag:$0x2], $0x10000, $0x38;
	[tilespmem:$0x10408] =	vst v63  }
0x24: {  	_ =	swait.ge [sflag:s3], $0x10000  }
0x25: {  	[sflag:s3] =	ssyncset.done $0x0  }
0x26: {  	s18 =	simm.s32 $0x208;
	[sflag:s3] =	ssyncadd.s32 $0xFFFF0000  }
0x27: {  	[tilespmem:s10], [sflag:$0x1] =	stream.indirect.gather [hbm4b:s8+s9], $0x80, s18, s9, $0xb8;
	[tilespmem:$0x10408] =	vst v63  }
0x28: {  	s19 =	simm.s32 $0x288  }
0x29: {  	[tilespmem:s12], [sflag:$0x1] =	stream.indirect.gather [hbm4b:s8+s9], $0x80, s19, s9, $0xb8;
	[tilespmem:$0x10408] =	vst v63  }
0x2a: {  	s20 =	simm.s32 $0x308  }
0x2b: {  	[tilespmem:s14], [sflag:$0x1] =	stream.indirect.gather [hbm4b:s8+s9], $0x80, s20, s9, $0xb8;
	[tilespmem:$0x10408] =	vst v63  }
0x2c: {  	s21 =	simm.s32 $0x388  }
0x2d: {  	[tilespmem:s16], [sflag:$0x1] =	stream.indirect.gather [hbm4b:s8+s9], $0x80, s21, s9, $0xb8;
	[tilespmem:$0x10408] =	vst v63  }
0x2e: {  	_ =	swait.ge [sflag:s7], $0x4000  }
0x2f: {  	[sflag:s7] =	ssyncset.done $0x0  }
0x30: {  	[sflag:s7] =	ssyncadd.s32 $0xFFFFC000  }
0x31: {  	_ =	swait.ge [sflag:s7], $0x4000  }
0x32: {  	[sflag:s7] =	ssyncset.done $0x0  }
0x33: {  	s22 =	ssub.s32 $0x2, s22;
	[sflag:s7] =	ssyncadd.s32 $0xFFFFC000  }
0x34: {  	s24 =	sshrl.u32 s22, $0x1;
	_ =	swait.ge [sflag:s7], $0x4000  }
0x35: {  	s24 =	ssub.s32 s22, s24;
	[sflag:s7] =	ssyncset.done $0x0  }
0x36: {  	s31 =	smax.u32 s24, $0x1;
	[sflag:s7] =	ssyncadd.s32 $0xFFFFC000  }
0x37: {  	p0 =	sne.s32 s31, $0x1;
	_ =	swait.ge [sflag:s7], $0x4000  }
.Ltmp0:
0x38: {  	[sflag:s7] =	ssyncset.done $0x0;
	(pc) =	sbr.rel @!p0 .LBB2_2-.Ltmp0, $4  }
0x39: {  	s22 =	sadd.s32 $0x69E00, s23;
	[sflag:s7] =	ssyncadd.s32 $0xFFFFC000  }
0x3a: {  	[hbm4b:s22+s2] =	stream.linear.scatter [tilespmem:s10], [sflag:$0x2], $0x10000, $0x38;
	[tilespmem:$0x10408] =	vst v63  }
0x3b: {  	_ =	swait.ge [sflag:s3], $0x10000  }
0x3c: {  	s23 =	sadd.s32 $0xFFFFFFFF, s31;
	[sflag:s3] =	ssyncset.done $0x0  }
.LBB2_1:
0x3d: {  	p0 =	sne.s32 s23, $0x1;
	s23 =	sadd.s32 $0xFFFFFFFF, s23;
	[sflag:s3] =	ssyncadd.s32 $0xFFFF0000  }
0x3e: {  	[tilespmem:s2], [sflag:$0x2] =	stream.linear.gather [hbm4b:s4+s2], $0x8, $0x38;
	[tilespmem:$0x10408] =	vst v63  }
0x3f: {  	_ =	swait.ge [sflag:s3], $0x8  }
0x40: {  	[sflag:s3] =	ssyncset.done $0x0  }
0x41: {  	[sflag:s3] =	ssyncadd.s32 $0xFFFFFFF8  }
0x42: {  	[tilespmem:s6], [sflag:$0x1] =	stream.indirect.gather [hbm4b:s5+s6], $0x80, s2, s6, $0xb8;
	[tilespmem:$0x10408] =	vst v63  }
0x43: {  	_ =	swait.ge [sflag:s7], $0x400  }
0x44: {  	[sflag:s7] =	ssyncset.done $0x0  }
0x45: {  	[sflag:s7] =	ssyncadd.s32 $0xFFFFFC00  }
0x46: {  	[tilespmem:s10], [sflag:$0x1] =	stream.indirect.gather [hbm4b:s8+s9], $0x80, s6, s9, $0xb8;
	[tilespmem:$0x10408] =	vst v63  }
0x47: {  	_ = 	snop  }
0x48: {  	[tilespmem:s12], [sflag:$0x1] =	stream.indirect.gather [hbm4b:s8+s9], $0x80, s11, s9, $0xb8;
	[tilespmem:$0x10408] =	vst v63  }
0x49: {  	_ = 	snop  }
0x4a: {  	[tilespmem:s14], [sflag:$0x1] =	stream.indirect.gather [hbm4b:s8+s9], $0x80, s13, s9, $0xb8;
	[tilespmem:$0x10408] =	vst v63  }
0x4b: {  	_ = 	snop  }
0x4c: {  	[tilespmem:s16], [sflag:$0x1] =	stream.indirect.gather [hbm4b:s8+s9], $0x80, s15, s9, $0xb8;
	[tilespmem:$0x10408] =	vst v63  }
0x4d: {  	_ =	swait.ge [sflag:s7], $0x4000  }
0x4e: {  	[sflag:s7] =	ssyncset.done $0x0  }
0x4f: {  	[sflag:s7] =	ssyncadd.s32 $0xFFFFC000  }
0x50: {  	_ =	swait.ge [sflag:s7], $0x4000  }
0x51: {  	[sflag:s7] =	ssyncset.done $0x0  }
0x52: {  	[sflag:s7] =	ssyncadd.s32 $0xFFFFC000  }
0x53: {  	_ =	swait.ge [sflag:s7], $0x4000  }
0x54: {  	[sflag:s7] =	ssyncset.done $0x0  }
0x55: {  	[sflag:s7] =	ssyncadd.s32 $0xFFFFC000  }
0x56: {  	_ =	swait.ge [sflag:s7], $0x4000  }
0x57: {  	[sflag:s7] =	ssyncset.done $0x0  }
0x58: {  	[sflag:s7] =	ssyncadd.s32 $0xFFFFC000  }
0x59: {  	[hbm4b:s17+s2] =	stream.linear.scatter [tilespmem:s10], [sflag:$0x2], $0x10000, $0x38;
	[tilespmem:$0x10408] =	vst v63  }
0x5a: {  	_ =	swait.ge [sflag:s3], $0x10000  }
0x5b: {  	[sflag:s3] =	ssyncset.done $0x0  }
0x5c: {  	[sflag:s3] =	ssyncadd.s32 $0xFFFF0000  }
0x5d: {  	[tilespmem:s10], [sflag:$0x1] =	stream.indirect.gather [hbm4b:s8+s9], $0x80, s18, s9, $0xb8;
	[tilespmem:$0x10408] =	vst v63  }
0x5e: {  	_ = 	snop  }
0x5f: {  	[tilespmem:s12], [sflag:$0x1] =	stream.indirect.gather [hbm4b:s8+s9], $0x80, s19, s9, $0xb8;
	[tilespmem:$0x10408] =	vst v63  }
0x60: {  	_ = 	snop  }
0x61: {  	[tilespmem:s14], [sflag:$0x1] =	stream.indirect.gather [hbm4b:s8+s9], $0x80, s20, s9, $0xb8;
	[tilespmem:$0x10408] =	vst v63  }
0x62: {  	_ = 	snop  }
0x63: {  	[tilespmem:s16], [sflag:$0x1] =	stream.indirect.gather [hbm4b:s8+s9], $0x80, s21, s9, $0xb8;
	[tilespmem:$0x10408] =	vst v63  }
0x64: {  	_ =	swait.ge [sflag:s7], $0x4000  }
0x65: {  	[sflag:s7] =	ssyncset.done $0x0  }
0x66: {  	[sflag:s7] =	ssyncadd.s32 $0xFFFFC000  }
0x67: {  	_ =	swait.ge [sflag:s7], $0x4000  }
0x68: {  	[sflag:s7] =	ssyncset.done $0x0  }
0x69: {  	[sflag:s7] =	ssyncadd.s32 $0xFFFFC000  }
0x6a: {  	_ =	swait.ge [sflag:s7], $0x4000  }
0x6b: {  	[sflag:s7] =	ssyncset.done $0x0  }
0x6c: {  	[sflag:s7] =	ssyncadd.s32 $0xFFFFC000  }
0x6d: {  	_ =	swait.ge [sflag:s7], $0x4000  }
.Ltmp1:
0x6e: {  	[sflag:s7] =	ssyncset.done $0x0;
	(pc) =	sbr.rel @p0 .LBB2_1-.Ltmp1, $4  }
0x6f: {  	[sflag:s7] =	ssyncadd.s32 $0xFFFFC000  }
0x70: {  	[hbm4b:s22+s2] =	stream.linear.scatter [tilespmem:s10], [sflag:$0x2], $0x10000, $0x38;
	[tilespmem:$0x10408] =	vst v63  }
0x71: {  	_ =	swait.ge [sflag:s3], $0x10000  }
0x72: {  	[sflag:s3] =	ssyncset.done $0x0  }
.LBB2_2:
0x73: {  	[sflag:s3] =	ssyncadd.s32 $0xFFFF0000  }
0x74: {  	_ =	sfence.sel $0x180000  }
0x75: {  	[bflag:$0x0] =	sbarrier.arrive $0xFFFF  }
0x76: {  	p0 =	sne.s32 s1, $0x0;
	_ =	strace $0x90000047  }
0x77: {  	s0 =	sadd.s32 @!p0 $0x100000, s0;
	[bflag:$0x2] =	sbarrier.arrive $0xFFFF  }
0x78: {  	[sflag:s0] =	ssyncadd.tile.s32 @!p0 $0x1;
	_ =	shalt  }
.Lfunc_end2:
_tile_overlayer_lowered:
.L_overlay_start_2:
0x79: {  	(tag) =	ssettag $0x2  }
0x7a: {  	s0 =	rddreg [dreg:$0x0];
	s2 =	stileid.u32  }
0x7b: {  	s1 =	rddreg [dreg:$0x1];
	p0 =	sne.s32 s2, $0x0  }
0x7c: {  	s3 =	rddreg [dreg:$0x2];
	[bflag:$0x3] =	sbarrier.arrive $0xFFFF;
	s2 =	simm.s32 @!p0 $0x1C02  }
0x7d: {  	[timem:s3], [sflag:s2] =	dma.local @!p0 [hbm:s0], s1  }
0x7e: {  	s0 =	simm.s32 @!p0 $0x2  }
0x7f: {  	_ =	swait.ge @!p0 [sflag:s0], s1  }
0x80: {  	s1 =	ssub.s32 @!p0 $0x0, s1;
	[sflag:s0] =	ssyncset.done @!p0 $0x0  }
0x81: {  	[sflag:s0] =	ssyncadd.s32 @!p0 s1  }
0x82: {  	[bflag:$0x3] =	sbarrier.arrive $0xFFFF  }
0x83: {  	_ =	shalt  }

</sc_bundles>
